<compile_context>
chip_gen: v7x
topology: tpu7x:2x2x1
jax: 0.10.2.dev20260603
libtpu: 0.0.44.dev20260713+nightly
codegen_flags: <defaults>
</compile_context>

<pallas_src>
import functools

import jax
import jax.numpy as jnp
from jax import lax
from jax.experimental import pallas as pl
from jax.experimental.pallas import tpu as pltpu
from jax.experimental.pallas import tpu_sc as plsc

N = 10000
E = 320000
D = 128
H = 8
DH = 16
HID = 512

NB = 10
BN = N // NB
BE = 4000
CH = 32
NCH = E // CH
NWORK = 32
ITERS = -(-NCH // NWORK)
N_PAD = 10240
ROWS_PER_TILE = N_PAD // 16
DEN_ROWS = N_PAD // 16
ACC_PER_TILE = (N_PAD + DEN_ROWS) // 16


def _tc_pre_body(x_ref, g_ref, b_ref, wq_ref, bq_ref, wk_ref, bk_ref,
                 wv_ref, bv_ref, ws_ref, bs_ref, ea_ref, we_ref, be_ref,
                 q_ref, k_ref, v_ref, xr_ref, e_ref):
    pid = pl.program_id(0)

    @pl.when(pid < NB)
    def _():
        x = x_ref[...]
        m = jnp.mean(x, axis=-1, keepdims=True)
        c = x - m
        var = jnp.mean(c * c, axis=-1, keepdims=True)
        xn = c * lax.rsqrt(var + 1e-5) * g_ref[...] + b_ref[...]
        q_ref[...] = (jnp.dot(xn, wq_ref[...],
                              preferred_element_type=jnp.float32)
                      + bq_ref[...]) * 0.25
        k_ref[...] = jnp.dot(xn, wk_ref[...],
                             preferred_element_type=jnp.float32) + bk_ref[...]
        v_ref[...] = jnp.dot(xn, wv_ref[...],
                             preferred_element_type=jnp.float32) + bv_ref[...]
        xr_ref[...] = jnp.dot(xn, ws_ref[...],
                              preferred_element_type=jnp.float32) + bs_ref[...]

    @pl.when(pid >= NB)
    def _():
        e_ref[...] = jnp.dot(ea_ref[...], we_ref[...],
                             preferred_element_type=jnp.float32) + be_ref[...]


def _tc_post_body(n0_ref, n1_ref, d0_ref, d1_ref, xr_ref, x_ref, wp_ref, bp_ref,
                  g2_ref, b2g_ref, w1_ref, b1_ref, w2_ref, b2_ref,
                  nodes_ref):
    num = n0_ref[0] + n1_ref[0]
    den = d0_ref[...] + d1_ref[...]
    r = lax.broadcasted_iota(jnp.int32, (H, D), 0)
    cidx = lax.broadcasted_iota(jnp.int32, (H, D), 1)
    bmat = jnp.where(cidx // DH == r, 1.0, 0.0).astype(jnp.float32)
    den_full = jnp.dot(den, bmat, preferred_element_type=jnp.float32)
    attn = num / (den_full + 1e-16)
    out = jnp.dot(attn + xr_ref[...], wp_ref[...], preferred_element_type=jnp.float32)
    out = out + bp_ref[...] + x_ref[...]
    m = jnp.mean(out, axis=-1, keepdims=True)
    c = out - m
    var = jnp.mean(c * c, axis=-1, keepdims=True)
    h = c * lax.rsqrt(var + 1e-5) * g2_ref[...] + b2g_ref[...]
    h = jax.nn.gelu(jnp.dot(h, w1_ref[...], preferred_element_type=jnp.float32) + b1_ref[...],
                    approximate=True)
    h = jnp.dot(h, w2_ref[...], preferred_element_type=jnp.float32) + b2_ref[...]
    nodes_ref[...] = out + h


def _lane_take(x, idx):
    dnums = lax.GatherDimensionNumbers(
        offset_dims=(), collapsed_slice_dims=(0,), start_index_map=(0,))
    return lax.gather(x, idx[:, None], dnums, slice_sizes=(1,),
                      mode=lax.GatherScatterMode.PROMISE_IN_BOUNDS)


def _sc_edge_kernel(q_hbm, k_hbm, v_hbm, e_hbm, src_hbm, dst_hbm, zeros_hbm,
                    num_out, den_out,
                    src0, dst0, src1, dst1, rows_v,
                    qb0, kb0, vb0, eb0, qb1, kb1, vb1, eb1,
                    cbdb, zb, acc_sh, sem0, sem1, semi0, semi1):
    core = lax.axis_index("c")
    sub = lax.axis_index("s")
    gwid = core * 16 + sub

    pltpu.sync_copy(zeros_hbm,
                    acc_sh.at[pl.ds(sub * ACC_PER_TILE, ACC_PER_TILE)])
    @pl.when(sub == 0)
    def _():
        pltpu.sync_copy(zeros_hbm.at[pl.ds(0, CH)], zb)
    pltpu.sync_copy(zeros_hbm.at[pl.ds(0, CH)], cbdb.at[pl.ds(CH, CH)])
    plsc.subcore_barrier()

    lane = lax.iota(jnp.int32, 16)
    shufs = [lane ^ (1 << t) for t in range(4)]
    sel = [(lane & (1 << t)) == 0 for t in range(3)]
    den_mask = lane < H
    hidx = [jnp.full((16,), h, jnp.int32) for h in range(H)]

    def merge(a, b, t):
        sa = a + _lane_take(a, shufs[t])
        sb = b + _lane_take(b, shufs[t])
        return jnp.where(sel[t], sa, sb)

    bufs = ((src0, dst0, qb0, kb0, vb0, eb0, sem0, semi0),
            (src1, dst1, qb1, kb1, vb1, eb1, sem1, semi1))

    def issue_idx(j, par):
        src_v, dst_v, _, _, _, _, _, semi = bufs[par]
        cid = j * NWORK + gwid

        @pl.when(cid < NCH)
        def _():
            base = cid * CH
            pltpu.async_copy(src_hbm.at[pl.ds(base, CH)], src_v, semi)
            pltpu.async_copy(dst_hbm.at[pl.ds(base, CH)], dst_v, semi)

    def issue_gath(j, par):
        src_v, dst_v, qb, kb, vb, eb, sem, semi = bufs[par]
        cid = j * NWORK + gwid

        @pl.when(cid < NCH)
        def _():
            base = cid * CH
            pltpu.make_async_copy(src_hbm.at[pl.ds(base, CH)], src_v,
                                  semi).wait()
            pltpu.make_async_copy(dst_hbm.at[pl.ds(base, CH)], dst_v,
                                  semi).wait()
            pltpu.async_copy(q_hbm.at[dst_v], qb, sem)
            pltpu.async_copy(k_hbm.at[src_v], kb, sem)
            pltpu.async_copy(v_hbm.at[src_v], vb, sem)
            pltpu.async_copy(e_hbm.at[pl.ds(base, CH)], eb, sem)

    def compute(j, par):
        src_v, dst_v, qb, kb, vb, eb, sem, semi = bufs[par]
        cid = j * NWORK + gwid

        @pl.when(cid < NCH)
        def _():
            pltpu.make_async_copy(q_hbm.at[dst_v], qb, sem).wait()
            pltpu.make_async_copy(k_hbm.at[src_v], kb, sem).wait()
            pltpu.make_async_copy(v_hbm.at[src_v], vb, sem).wait()
            pltpu.make_async_copy(e_hbm.at[pl.ds(0, CH)], eb, sem).wait()
            for g in range(CH // 16):
                dv = dst_v[pl.ds(g * 16, 16)]
                rows_v[pl.ds(g * 16, 16)] = dv
                rows_v[pl.ds(CH + g * 16, 16)] = (
                    lax.shift_right_logical(dv, 4) + N_PAD)
            issue_idx(j + 2, par)

            def edge_body(i, carry2):
                dvec = rows_v[pl.ds((i // 16) * 16, 16)]
                d = _lane_take(dvec, jnp.full((16,), i % 16, jnp.int32))
                ps = []
                ves = []
                for h in range(H):
                    erow = eb[i, pl.ds(h * DH, DH)]
                    ps.append(qb[i, pl.ds(h * DH, DH)]
                              * (kb[i, pl.ds(h * DH, DH)] + erow))
                    ves.append(vb[i, pl.ds(h * DH, DH)] + erow)
                m01 = merge(ps[0], ps[1], 0)
                m23 = merge(ps[2], ps[3], 0)
                m45 = merge(ps[4], ps[5], 0)
                m67 = merge(ps[6], ps[7], 0)
                m03 = merge(m01, m23, 1)
                m47 = merge(m45, m67, 1)
                m07 = merge(m03, m47, 2)
                f = m07 + _lane_take(m07, shufs[3])
                w8 = jnp.exp(f)
                plsc.addupdate_scatter(
                    cbdb,
                    [jnp.full((16,), CH + i, jnp.int32), (d & 15) * 8 + lane],
                    w8, mask=den_mask)
                for h in range(H):
                    wh = _lane_take(w8, hidx[h])
                    cbdb[i, pl.ds(h * DH, DH)] = wh * ves[h]
                return carry2

            lax.fori_loop(0, CH, edge_body, 0)
            pltpu.sync_copy(cbdb, acc_sh.at[rows_v], add=True)
            pltpu.sync_copy(zb, cbdb.at[pl.ds(CH, CH)])

    issue_idx(0, 0)
    issue_idx(1, 1)
    issue_gath(0, 0)

    def pipe_body(t, carry):
        j = 2 * t
        issue_gath(j + 1, 1)
        compute(j, 0)
        issue_gath(j + 2, 0)
        compute(j + 1, 1)
        return carry

    lax.fori_loop(0, (ITERS + 1) // 2, pipe_body, 0)
    plsc.subcore_barrier()

    pltpu.sync_copy(acc_sh.at[pl.ds(sub * ROWS_PER_TILE, ROWS_PER_TILE)],
                    num_out.at[core, pl.ds(sub * ROWS_PER_TILE, ROWS_PER_TILE)])
    pltpu.sync_copy(
        acc_sh.at[pl.ds(N_PAD + sub * (DEN_ROWS // 16), DEN_ROWS // 16)],
        den_out.at[core, pl.ds(sub * (DEN_ROWS // 16), DEN_ROWS // 16)])


_sc_edge = functools.partial(
    pl.kernel,
    out_type=(jax.ShapeDtypeStruct((2, N_PAD, D), jnp.float32),
              jax.ShapeDtypeStruct((2, DEN_ROWS, D), jnp.float32)),
    mesh=plsc.VectorSubcoreMesh(core_axis_name="c", subcore_axis_name="s"),
    compiler_params=pltpu.CompilerParams(needs_layout_passes=False),
    scratch_types=[
        pltpu.VMEM((CH,), jnp.int32),
        pltpu.VMEM((CH,), jnp.int32),
        pltpu.VMEM((CH,), jnp.int32),
        pltpu.VMEM((CH,), jnp.int32),
        pltpu.VMEM((2 * CH,), jnp.int32),
        pltpu.VMEM((CH, D), jnp.float32),
        pltpu.VMEM((CH, D), jnp.float32),
        pltpu.VMEM((CH, D), jnp.float32),
        pltpu.VMEM((CH, D), jnp.float32),
        pltpu.VMEM((CH, D), jnp.float32),
        pltpu.VMEM((CH, D), jnp.float32),
        pltpu.VMEM((CH, D), jnp.float32),
        pltpu.VMEM((CH, D), jnp.float32),
        pltpu.VMEM((2 * CH, D), jnp.float32),
        pltpu.VMEM_SHARED((CH, D), jnp.float32),
        pltpu.VMEM_SHARED((N_PAD + DEN_ROWS, D), jnp.float32),
        pltpu.SemaphoreType.DMA,
        pltpu.SemaphoreType.DMA,
        pltpu.SemaphoreType.DMA,
        pltpu.SemaphoreType.DMA,
    ],
)(_sc_edge_kernel)


def kernel(x, edge_attr, edge_index, batch_size, Wq, bq, Wk, bk, Wv, bv,
           Wself, bself, We, be, Wproj, bproj, ln1_g, ln1_b, ln2_g, ln2_b,
           W1, b1, W2, b2):
    f32 = jnp.float32

    row = lambda a: a.reshape(1, -1)

    nclamp = lambda i: (jnp.minimum(i, NB - 1), 0)
    eclamp = lambda i: (jnp.maximum(i - NB, 0), 0)
    zz = lambda i: (0, 0)
    q, k, v, xr, e = pl.pallas_call(
        _tc_pre_body,
        grid=(NB + E // BE,),
        in_specs=[
            pl.BlockSpec((BN, D), nclamp),
            pl.BlockSpec((1, D), zz),
            pl.BlockSpec((1, D), zz),
            pl.BlockSpec((D, D), zz),
            pl.BlockSpec((1, D), zz),
            pl.BlockSpec((D, D), zz),
            pl.BlockSpec((1, D), zz),
            pl.BlockSpec((D, D), zz),
            pl.BlockSpec((1, D), zz),
            pl.BlockSpec((D, D), zz),
            pl.BlockSpec((1, D), zz),
            pl.BlockSpec((BE, 16), eclamp),
            pl.BlockSpec((16, D), zz),
            pl.BlockSpec((1, D), zz),
        ],
        out_specs=[pl.BlockSpec((BN, D), nclamp)] * 4
        + [pl.BlockSpec((BE, D), eclamp)],
        out_shape=[jax.ShapeDtypeStruct((N, D), f32)] * 4
        + [jax.ShapeDtypeStruct((E, D), f32)],
    )(x, row(ln1_g), row(ln1_b), Wq, row(bq), Wk, row(bk), Wv, row(bv),
      Wself, row(bself), edge_attr, We, row(be))

    zeros = jnp.zeros((ACC_PER_TILE, D), f32)

    num_pad, den_raw = _sc_edge(q, k, v, e, edge_index[0], edge_index[1],
                                zeros)
    den = den_raw.reshape(2, N_PAD, H)[:, :N, :]

    nodes = pl.pallas_call(
        _tc_post_body,
        grid=(NB,),
        in_specs=[
            pl.BlockSpec((1, BN, D), lambda i: (0, i, 0)),
            pl.BlockSpec((1, BN, D), lambda i: (1, i, 0)),
            pl.BlockSpec((BN, H), lambda i: (i, 0)),
            pl.BlockSpec((BN, H), lambda i: (i, 0)),
            pl.BlockSpec((BN, D), lambda i: (i, 0)),
            pl.BlockSpec((BN, D), lambda i: (i, 0)),
            pl.BlockSpec((D, D), lambda i: (0, 0)),
            pl.BlockSpec((1, D), lambda i: (0, 0)),
            pl.BlockSpec((1, D), lambda i: (0, 0)),
            pl.BlockSpec((1, D), lambda i: (0, 0)),
            pl.BlockSpec((D, HID), lambda i: (0, 0)),
            pl.BlockSpec((1, HID), lambda i: (0, 0)),
            pl.BlockSpec((HID, D), lambda i: (0, 0)),
            pl.BlockSpec((1, D), lambda i: (0, 0)),
        ],
        out_specs=pl.BlockSpec((BN, D), lambda i: (i, 0)),
        out_shape=jax.ShapeDtypeStruct((N, D), f32),
    )(num_pad, num_pad, den[0], den[1], xr, x, Wproj, row(bproj), row(ln2_g),
      row(ln2_b), W1, row(b1), W2, row(b2))

    return (nodes, edge_attr)

# --- scband reference (transcript-rebuilt; emitter-appended) ---
"""Pipeline reference for scband-graph-transformer-base-block-91113436217869 (READ-ONLY COPY).

The authoritative reference and input builder live on the scoring server;
editing this copy changes nothing except your own understanding.
"""

import jax, jax.numpy as jnp
import numpy as np

N = 10000
E = 320000
D_IN = 128
D_OUT = 128
H = 8
DH = D_OUT // H
D_EDGE = 16
HID = 512


def _ln(x, g, b):
    m = jnp.mean(x, axis=-1, keepdims=True)
    v = jnp.var(x, axis=-1, keepdims=True)
    return (x - m) / jnp.sqrt(v + 1e-5) * g + b


def setup_inputs(seed: int = 0):
    key = jax.random.key(seed)
    ks = jax.random.split(key, 16)

    def p(k, shape):
        return jax.random.normal(k, shape, dtype=jnp.float32) * 0.02

    return {
        "x": jax.random.normal(ks[0], (N, D_IN), dtype=jnp.float32),
        "edge_attr": jax.random.normal(ks[1], (E, D_EDGE), dtype=jnp.float32),
        "edge_index": jax.random.randint(ks[2], (2, E), 0, N, dtype=jnp.int32),
        "batch_size": 1,
        "Wq": p(ks[3], (D_IN, D_OUT)), "bq": jnp.zeros((D_OUT,), jnp.float32),
        "Wk": p(ks[4], (D_IN, D_OUT)), "bk": jnp.zeros((D_OUT,), jnp.float32),
        "Wv": p(ks[5], (D_IN, D_OUT)), "bv": jnp.zeros((D_OUT,), jnp.float32),
        "Wself": p(ks[6], (D_IN, D_OUT)), "bself": jnp.zeros((D_OUT,), jnp.float32),
        "We": p(ks[7], (D_EDGE, D_OUT)), "be": jnp.zeros((D_OUT,), jnp.float32),
        "Wproj": p(ks[8], (D_OUT, D_OUT)), "bproj": jnp.zeros((D_OUT,), jnp.float32),
        "ln1_g": jnp.ones((D_IN,), jnp.float32), "ln1_b": jnp.zeros((D_IN,), jnp.float32),
        "ln2_g": jnp.ones((D_OUT,), jnp.float32), "ln2_b": jnp.zeros((D_OUT,), jnp.float32),
        "W1": p(ks[9], (D_OUT, HID)), "b1": jnp.zeros((HID,), jnp.float32),
        "W2": p(ks[10], (HID, D_OUT)), "b2": jnp.zeros((D_OUT,), jnp.float32),
    }


def reference(x, edge_attr, edge_index, batch_size, Wq, bq, Wk, bk, Wv, bv,
              Wself, bself, We, be, Wproj, bproj, ln1_g, ln1_b, ln2_g, ln2_b,
              W1, b1, W2, b2):
    # batch_size is 1; model_comm_group / shapes are distributed-only (no-op here)
    x_skip = x
    xn = _ln(x, ln1_g, ln1_b)
    # get_qkve (edge_pre_mlp = Identity)
    q = (xn @ Wq + bq).reshape(N, H, DH)
    k = (xn @ Wk + bk).reshape(N, H, DH)
    v = (xn @ Wv + bv).reshape(N, H, DH)
    e = (edge_attr @ We + be).reshape(E, H, DH)
    src = edge_index[0]
    dst = edge_index[1]
    # graph transformer conv: per-dst softmax attention over incoming edges
    q_i = jnp.take(q, dst, axis=0)            # [E, H, DH] gather
    k_j = jnp.take(k, src, axis=0) + e        # [E, H, DH] gather
    v_j = jnp.take(v, src, axis=0) + e        # [E, H, DH] gather
    alpha = jnp.sum(q_i * k_j, axis=-1) / jnp.sqrt(jnp.float32(DH))  # [E, H]
    amax = jax.ops.segment_max(alpha, dst, num_segments=N)           # [N, H]
    amax = jnp.where(jnp.isfinite(amax), amax, 0.0)
    ex = jnp.exp(alpha - jnp.take(amax, dst, axis=0))
    den = jax.ops.segment_sum(ex, dst, num_segments=N)               # [N, H]
    w = ex / (jnp.take(den, dst, axis=0) + 1e-16)
    out = jax.ops.segment_sum(w[..., None] * v_j, dst, num_segments=N)  # [N, H, DH] scatter-add
    out = out.reshape(N, D_OUT)
    # self connection + projection + residual
    x_r = xn @ Wself + bself
    out = (out + x_r) @ Wproj + bproj
    out = out + x_skip
    # node dst MLP with pre-LN, residual
    h = _ln(out, ln2_g, ln2_b)
    h = jax.nn.gelu(h @ W1 + b1) @ W2 + b2
    nodes = out + h
    return (nodes, edge_attr)

if __name__ == "__main__":
    import jax
    _d = setup_inputs()
    print(jax.jit(kernel)(*tuple(_d.values())))

</pallas_src>

<mosaic_0001>
#map = affine_map<(d0, d1) -> (0, 0)>
#map1 = affine_map<(d0, d1) -> (0)>
#map2 = affine_map<(d0, d1) -> (0, 0, 0)>
module attributes {stable_mosaic.version = 14 : i64} {
  func.func @_sc_edge_kernel(%arg0: i32, %arg1: i32, %arg2: memref<10000x128xf32, #tpu.memory_space<hbm>>, %arg3: memref<10000x128xf32, #tpu.memory_space<hbm>>, %arg4: memref<10000x128xf32, #tpu.memory_space<hbm>>, %arg5: memref<320000x128xf32, #tpu.memory_space<hbm>>, %arg6: memref<320000xi32, #tpu.memory_space<hbm>>, %arg7: memref<320000xi32, #tpu.memory_space<hbm>>, %arg8: memref<680x128xf32, #tpu.memory_space<hbm>>, %arg9: memref<2x10240x128xf32, #tpu.memory_space<hbm>>, %arg10: memref<2x640x128xf32, #tpu.memory_space<hbm>>, %arg11: memref<32xi32, #tpu.memory_space<vmem>>, %arg12: memref<32xi32, #tpu.memory_space<vmem>>, %arg13: memref<32xi32, #tpu.memory_space<vmem>>, %arg14: memref<32xi32, #tpu.memory_space<vmem>>, %arg15: memref<64xi32, #tpu.memory_space<vmem>>, %arg16: memref<32x128xf32, #tpu.memory_space<vmem>>, %arg17: memref<32x128xf32, #tpu.memory_space<vmem>>, %arg18: memref<32x128xf32, #tpu.memory_space<vmem>>, %arg19: memref<32x128xf32, #tpu.memory_space<vmem>>, %arg20: memref<32x128xf32, #tpu.memory_space<vmem>>, %arg21: memref<32x128xf32, #tpu.memory_space<vmem>>, %arg22: memref<32x128xf32, #tpu.memory_space<vmem>>, %arg23: memref<32x128xf32, #tpu.memory_space<vmem>>, %arg24: memref<64x128xf32, #tpu.memory_space<vmem>>, %arg25: memref<32x128xf32, #tpu.memory_space<vmem_shared>>, %arg26: memref<10880x128xf32, #tpu.memory_space<vmem_shared>>, %arg27: memref<!tpu.dma_semaphore, #tpu.memory_space<semaphore_mem>>, %arg28: memref<!tpu.dma_semaphore, #tpu.memory_space<semaphore_mem>>, %arg29: memref<!tpu.dma_semaphore, #tpu.memory_space<semaphore_mem>>, %arg30: memref<!tpu.dma_semaphore, #tpu.memory_space<semaphore_mem>>) attributes {dimension_semantics = [#tpu.dimension_semantics<core_parallel>, #tpu.dimension_semantics<subcore_parallel>], iteration_bounds = array<i64: 2, 16>, scalar_prefetch = 0 : i64, scratch_operands = 20 : i64, tpu.core_type = #tpu.core_type<sc_vector_subcore>, window_params = [{transform_indices = #map}, {transform_indices = #map}, {transform_indices = #map}, {transform_indices = #map}, {transform_indices = #map1}, {transform_indices = #map1}, {transform_indices = #map}, {transform_indices = #map2}, {transform_indices = #map2}]} {
    %mul3A = arith.constant 16 : i32
    %mul3A_0 = arith.muli %arg0, %mul3A : i32
    %add3A = arith.addi %mul3A_0, %arg1 : i32
    %mul3A_1 = arith.constant 680 : i32
    %mul3A_2 = arith.muli %arg1, %mul3A_1 : i32
    "tpu.region"() ({
      %run_scoped3A = tpu.sem_alloc : memref<!tpu.dma_semaphore, #tpu.memory_space<semaphore_mem>>
      %dma_start3A = arith.constant 0 : i32
      %dma_start3A_87 = tpu.memref_slice %arg26[%mul3A_2, %dma_start3A] : memref<10880x128xf32, #tpu.memory_space<vmem_shared>> -> memref<680x128xf32, #tpu.memory_space<vmem_shared>>
      tpu.enqueue_dma source(%arg8 : memref<680x128xf32, #tpu.memory_space<hbm>>) target(%dma_start3A_87 : memref<680x128xf32, #tpu.memory_space<vmem_shared>>) target_semaphore(%run_scoped3A : memref<!tpu.dma_semaphore, #tpu.memory_space<semaphore_mem>>)
      %dma_wait3A = arith.constant 0 : i32
      %dma_wait3A_88 = tpu.memref_slice %arg26[%mul3A_2, %dma_wait3A] : memref<10880x128xf32, #tpu.memory_space<vmem_shared>> -> memref<680x128xf32, #tpu.memory_space<vmem_shared>>
      tpu.wait_dma2 semaphore(%run_scoped3A : memref<!tpu.dma_semaphore, #tpu.memory_space<semaphore_mem>>) src(%arg8 : memref<680x128xf32, #tpu.memory_space<hbm>>) dst(%dma_wait3A_88 : memref<680x128xf32, #tpu.memory_space<vmem_shared>>)
      tpu.yield
    }) : () -> ()
    %eq3A = arith.constant 0 : i32
    %eq3A_3 = arith.cmpi eq, %arg1, %eq3A : i32
    %convert_element_type3A = arith.extui %eq3A_3 : i1 to i32
    %cond3A = arith.constant 0 : i32
    %cond3A_4 = arith.cmpi ne, %convert_element_type3A, %cond3A : i32
    scf.if %cond3A_4 {
      "tpu.region"() ({
        %run_scoped3A = tpu.sem_alloc : memref<!tpu.dma_semaphore, #tpu.memory_space<semaphore_mem>>
        %dma_start3A = arith.constant 0 : i32
        %dma_start3A_87 = arith.constant 0 : i32
        %dma_start3A_88 = tpu.memref_slice %arg8[%dma_start3A, %dma_start3A_87] : memref<680x128xf32, #tpu.memory_space<hbm>> -> memref<32x128xf32, #tpu.memory_space<hbm>>
        tpu.enqueue_dma source(%dma_start3A_88 : memref<32x128xf32, #tpu.memory_space<hbm>>) target(%arg25 : memref<32x128xf32, #tpu.memory_space<vmem_shared>>) target_semaphore(%run_scoped3A : memref<!tpu.dma_semaphore, #tpu.memory_space<semaphore_mem>>)
        %dma_wait3A = arith.constant 0 : i32
        %dma_wait3A_89 = arith.constant 0 : i32
        %dma_wait3A_90 = tpu.memref_slice %arg8[%dma_wait3A, %dma_wait3A_89] : memref<680x128xf32, #tpu.memory_space<hbm>> -> memref<32x128xf32, #tpu.memory_space<hbm>>
        tpu.wait_dma2 semaphore(%run_scoped3A : memref<!tpu.dma_semaphore, #tpu.memory_space<semaphore_mem>>) src(%dma_wait3A_90 : memref<32x128xf32, #tpu.memory_space<hbm>>) dst(%arg25 : memref<32x128xf32, #tpu.memory_space<vmem_shared>>)
        tpu.yield
      }) : () -> ()
    } else {
    }
    "tpu.region"() ({
      %run_scoped3A = tpu.sem_alloc : memref<!tpu.dma_semaphore, #tpu.memory_space<semaphore_mem>>
      %dma_start3A = arith.constant 32 : i32
      %dma_start3A_87 = arith.constant 0 : i32
      %dma_start3A_88 = tpu.memref_slice %arg24[%dma_start3A, %dma_start3A_87] : memref<64x128xf32, #tpu.memory_space<vmem>> -> memref<32x128xf32, #tpu.memory_space<vmem>>
      %dma_start3A_89 = arith.constant 0 : i32
      %dma_start3A_90 = arith.constant 0 : i32
      %dma_start3A_91 = tpu.memref_slice %arg8[%dma_start3A_89, %dma_start3A_90] : memref<680x128xf32, #tpu.memory_space<hbm>> -> memref<32x128xf32, #tpu.memory_space<hbm>>
      %dma_start3A_92 = arith.constant 32 : i32
      %dma_start3A_93 = arith.constant 0 : i32
      %dma_start3A_94 = tpu.memref_slice %arg24[%dma_start3A_92, %dma_start3A_93] : memref<64x128xf32, #tpu.memory_space<vmem>> -> memref<32x128xf32, #tpu.memory_space<vmem>>
      %dma_start3A_95 = arith.constant 0 : i32
      %dma_start3A_96 = arith.constant 0 : i32
      %dma_start3A_97 = tpu.memref_slice %arg8[%dma_start3A_95, %dma_start3A_96] : memref<680x128xf32, #tpu.memory_space<hbm>> -> memref<32x128xf32, #tpu.memory_space<hbm>>
      tpu.enqueue_dma source(%dma_start3A_97 : memref<32x128xf32, #tpu.memory_space<hbm>>) target(%dma_start3A_94 : memref<32x128xf32, #tpu.memory_space<vmem>>) target_semaphore(%run_scoped3A : memref<!tpu.dma_semaphore, #tpu.memory_space<semaphore_mem>>)
      %dma_wait3A = arith.constant 32 : i32
      %dma_wait3A_98 = arith.constant 0 : i32
      %dma_wait3A_99 = tpu.memref_slice %arg24[%dma_wait3A, %dma_wait3A_98] : memref<64x128xf32, #tpu.memory_space<vmem>> -> memref<32x128xf32, #tpu.memory_space<vmem>>
      %dma_wait3A_100 = arith.constant 0 : i32
      %dma_wait3A_101 = arith.constant 0 : i32
      %dma_wait3A_102 = tpu.memref_slice %arg8[%dma_wait3A_100, %dma_wait3A_101] : memref<680x128xf32, #tpu.memory_space<hbm>> -> memref<32x128xf32, #tpu.memory_space<hbm>>
      %dma_wait3A_103 = arith.constant 32 : i32
      %dma_wait3A_104 = arith.constant 0 : i32
      %dma_wait3A_105 = tpu.memref_slice %arg24[%dma_wait3A_103, %dma_wait3A_104] : memref<64x128xf32, #tpu.memory_space<vmem>> -> memref<32x128xf32, #tpu.memory_space<vmem>>
      %dma_wait3A_106 = arith.constant 0 : i32
      %dma_wait3A_107 = arith.constant 0 : i32
      %dma_wait3A_108 = tpu.memref_slice %arg8[%dma_wait3A_106, %dma_wait3A_107] : memref<680x128xf32, #tpu.memory_space<hbm>> -> memref<32x128xf32, #tpu.memory_space<hbm>>
      tpu.wait_dma2 semaphore(%run_scoped3A : memref<!tpu.dma_semaphore, #tpu.memory_space<semaphore_mem>>) src(%dma_wait3A_108 : memref<32x128xf32, #tpu.memory_space<hbm>>) dst(%dma_wait3A_105 : memref<32x128xf32, #tpu.memory_space<vmem>>)
      tpu.yield
    }) : () -> ()
    %barrier3A = arith.constant 0 : index
    tpu.barrier barrier_id(%barrier3A)
    %iota3A = tpu.iota {dimensions = array<i32: 0>} : vector<16xi32>
    %xor3A = arith.constant 1 : i32
    %xor3A_5 = vector.broadcast %xor3A : i32 to vector<16xi32>
    %xor3A_6 = arith.xori %iota3A, %xor3A_5 : vector<16xi32>
    %xor3A_7 = arith.constant 2 : i32
    %xor3A_8 = vector.broadcast %xor3A_7 : i32 to vector<16xi32>
    %xor3A_9 = arith.xori %iota3A, %xor3A_8 : vector<16xi32>
    %xor3A_10 = arith.constant 4 : i32
    %xor3A_11 = vector.broadcast %xor3A_10 : i32 to vector<16xi32>
    %xor3A_12 = arith.xori %iota3A, %xor3A_11 : vector<16xi32>
    %xor3A_13 = arith.constant 8 : i32
    %xor3A_14 = vector.broadcast %xor3A_13 : i32 to vector<16xi32>
    %xor3A_15 = arith.xori %iota3A, %xor3A_14 : vector<16xi32>
    %and3A = arith.constant 1 : i32
    %and3A_16 = vector.broadcast %and3A : i32 to vector<16xi32>
    %and3A_17 = arith.andi %iota3A, %and3A_16 : vector<16xi32>
    %eq3A_18 = arith.constant 0 : i32
    %eq3A_19 = vector.broadcast %eq3A_18 : i32 to vector<16xi32>
    %eq3A_20 = arith.cmpi eq, %and3A_17, %eq3A_19 : vector<16xi32>
    %and3A_21 = arith.constant 2 : i32
    %and3A_22 = vector.broadcast %and3A_21 : i32 to vector<16xi32>
    %and3A_23 = arith.andi %iota3A, %and3A_22 : vector<16xi32>
    %eq3A_24 = arith.constant 0 : i32
    %eq3A_25 = vector.broadcast %eq3A_24 : i32 to vector<16xi32>
    %eq3A_26 = arith.cmpi eq, %and3A_23, %eq3A_25 : vector<16xi32>
    %and3A_27 = arith.constant 4 : i32
    %and3A_28 = vector.broadcast %and3A_27 : i32 to vector<16xi32>
    %and3A_29 = arith.andi %iota3A, %and3A_28 : vector<16xi32>
    %eq3A_30 = arith.constant 0 : i32
    %eq3A_31 = vector.broadcast %eq3A_30 : i32 to vector<16xi32>
    %eq3A_32 = arith.cmpi eq, %and3A_29, %eq3A_31 : vector<16xi32>
    %lt3A = arith.constant 8 : i32
    %lt3A_33 = vector.broadcast %lt3A : i32 to vector<16xi32>
    %lt3A_34 = arith.cmpi slt, %iota3A, %lt3A_33 : vector<16xi32>
    %broadcast_in_dim3A = arith.constant 0 : i32
    %broadcast_in_dim3A_35 = vector.broadcast %broadcast_in_dim3A : i32 to vector<16xi32>
    %broadcast_in_dim3A_36 = arith.constant 1 : i32
    %broadcast_in_dim3A_37 = vector.broadcast %broadcast_in_dim3A_36 : i32 to vector<16xi32>
    %broadcast_in_dim3A_38 = arith.constant 2 : i32
    %broadcast_in_dim3A_39 = vector.broadcast %broadcast_in_dim3A_38 : i32 to vector<16xi32>
    %broadcast_in_dim3A_40 = arith.constant 3 : i32
    %broadcast_in_dim3A_41 = vector.broadcast %broadcast_in_dim3A_40 : i32 to vector<16xi32>
    %broadcast_in_dim3A_42 = arith.constant 4 : i32
    %broadcast_in_dim3A_43 = vector.broadcast %broadcast_in_dim3A_42 : i32 to vector<16xi32>
    %broadcast_in_dim3A_44 = arith.constant 5 : i32
    %broadcast_in_dim3A_45 = vector.broadcast %broadcast_in_dim3A_44 : i32 to vector<16xi32>
    %broadcast_in_dim3A_46 = arith.constant 6 : i32
    %broadcast_in_dim3A_47 = vector.broadcast %broadcast_in_dim3A_46 : i32 to vector<16xi32>
    %broadcast_in_dim3A_48 = arith.constant 7 : i32
    %broadcast_in_dim3A_49 = vector.broadcast %broadcast_in_dim3A_48 : i32 to vector<16xi32>
    %add3A_50 = arith.constant 0 : i32
    %add3A_51 = arith.addi %add3A_50, %add3A : i32
    %lt3A_52 = arith.constant 10000 : i32
    %lt3A_53 = arith.cmpi slt, %add3A_51, %lt3A_52 : i32
    %convert_element_type3A_54 = arith.extui %lt3A_53 : i1 to i32
    %cond3A_55 = arith.constant 0 : i32
    %cond3A_56 = arith.cmpi ne, %convert_element_type3A_54, %cond3A_55 : i32
    scf.if %cond3A_56 {
      %mul3A_87 = arith.constant 32 : i32
      %mul3A_88 = arith.muli %add3A_51, %mul3A_87 : i32
      %dma_start3A = tpu.memref_slice %arg6[%mul3A_88] : memref<320000xi32, #tpu.memory_space<hbm>> -> memref<32xi32, #tpu.memory_space<hbm>>
      %dma_start3A_89 = tpu.memref_slice %arg6[%mul3A_88] : memref<320000xi32, #tpu.memory_space<hbm>> -> memref<32xi32, #tpu.memory_space<hbm>>
      tpu.enqueue_dma source(%dma_start3A_89 : memref<32xi32, #tpu.memory_space<hbm>>) target(%arg11 : memref<32xi32, #tpu.memory_space<vmem>>) target_semaphore(%arg29 : memref<!tpu.dma_semaphore, #tpu.memory_space<semaphore_mem>>)
      %dma_start3A_90 = tpu.memref_slice %arg7[%mul3A_88] : memref<320000xi32, #tpu.memory_space<hbm>> -> memref<32xi32, #tpu.memory_space<hbm>>
      %dma_start3A_91 = tpu.memref_slice %arg7[%mul3A_88] : memref<320000xi32, #tpu.memory_space<hbm>> -> memref<32xi32, #tpu.memory_space<hbm>>
      tpu.enqueue_dma source(%dma_start3A_91 : memref<32xi32, #tpu.memory_space<hbm>>) target(%arg12 : memref<32xi32, #tpu.memory_space<vmem>>) target_semaphore(%arg29 : memref<!tpu.dma_semaphore, #tpu.memory_space<semaphore_mem>>)
    } else {
    }
    %add3A_57 = arith.constant 32 : i32
    %add3A_58 = arith.addi %add3A_57, %add3A : i32
    %lt3A_59 = arith.constant 10000 : i32
    %lt3A_60 = arith.cmpi slt, %add3A_58, %lt3A_59 : i32
    %convert_element_type3A_61 = arith.extui %lt3A_60 : i1 to i32
    %cond3A_62 = arith.constant 0 : i32
    %cond3A_63 = arith.cmpi ne, %convert_element_type3A_61, %cond3A_62 : i32
    scf.if %cond3A_63 {
      %mul3A_87 = arith.constant 32 : i32
      %mul3A_88 = arith.muli %add3A_58, %mul3A_87 : i32
      %dma_start3A = tpu.memref_slice %arg6[%mul3A_88] : memref<320000xi32, #tpu.memory_space<hbm>> -> memref<32xi32, #tpu.memory_space<hbm>>
      %dma_start3A_89 = tpu.memref_slice %arg6[%mul3A_88] : memref<320000xi32, #tpu.memory_space<hbm>> -> memref<32xi32, #tpu.memory_space<hbm>>
      tpu.enqueue_dma source(%dma_start3A_89 : memref<32xi32, #tpu.memory_space<hbm>>) target(%arg13 : memref<32xi32, #tpu.memory_space<vmem>>) target_semaphore(%arg30 : memref<!tpu.dma_semaphore, #tpu.memory_space<semaphore_mem>>)
      %dma_start3A_90 = tpu.memref_slice %arg7[%mul3A_88] : memref<320000xi32, #tpu.memory_space<hbm>> -> memref<32xi32, #tpu.memory_space<hbm>>
      %dma_start3A_91 = tpu.memref_slice %arg7[%mul3A_88] : memref<320000xi32, #tpu.memory_space<hbm>> -> memref<32xi32, #tpu.memory_space<hbm>>
      tpu.enqueue_dma source(%dma_start3A_91 : memref<32xi32, #tpu.memory_space<hbm>>) target(%arg14 : memref<32xi32, #tpu.memory_space<vmem>>) target_semaphore(%arg30 : memref<!tpu.dma_semaphore, #tpu.memory_space<semaphore_mem>>)
    } else {
    }
    %add3A_64 = arith.constant 0 : i32
    %add3A_65 = arith.addi %add3A_64, %add3A : i32
    %lt3A_66 = arith.constant 10000 : i32
    %lt3A_67 = arith.cmpi slt, %add3A_65, %lt3A_66 : i32
    %convert_element_type3A_68 = arith.extui %lt3A_67 : i1 to i32
    %cond3A_69 = arith.constant 0 : i32
    %cond3A_70 = arith.cmpi ne, %convert_element_type3A_68, %cond3A_69 : i32
    scf.if %cond3A_70 {
      %mul3A_87 = arith.constant 32 : i32
      %mul3A_88 = arith.muli %add3A_65, %mul3A_87 : i32
      %dma_wait3A = tpu.memref_slice %arg6[%mul3A_88] : memref<320000xi32, #tpu.memory_space<hbm>> -> memref<32xi32, #tpu.memory_space<hbm>>
      %dma_wait3A_89 = tpu.memref_slice %arg6[%mul3A_88] : memref<320000xi32, #tpu.memory_space<hbm>> -> memref<32xi32, #tpu.memory_space<hbm>>
      tpu.wait_dma2 semaphore(%arg29 : memref<!tpu.dma_semaphore, #tpu.memory_space<semaphore_mem>>) src(%dma_wait3A_89 : memref<32xi32, #tpu.memory_space<hbm>>) dst(%arg11 : memref<32xi32, #tpu.memory_space<vmem>>)
      %dma_wait3A_90 = tpu.memref_slice %arg7[%mul3A_88] : memref<320000xi32, #tpu.memory_space<hbm>> -> memref<32xi32, #tpu.memory_space<hbm>>
      %dma_wait3A_91 = tpu.memref_slice %arg7[%mul3A_88] : memref<320000xi32, #tpu.memory_space<hbm>> -> memref<32xi32, #tpu.memory_space<hbm>>
      tpu.wait_dma2 semaphore(%arg29 : memref<!tpu.dma_semaphore, #tpu.memory_space<semaphore_mem>>) src(%dma_wait3A_91 : memref<32xi32, #tpu.memory_space<hbm>>) dst(%arg12 : memref<32xi32, #tpu.memory_space<vmem>>)
      %dma_start3A = arith.constant 0 : i32
      %dma_start3A_92 = arith.constant 0 : i32
      %dma_start3A_93 = tpu.memref_slice %arg2[%dma_start3A, %dma_start3A_92] : memref<10000x128xf32, #tpu.memory_space<hbm>> -> memref<10000x128xf32, #tpu.memory_space<hbm>>
      tpu.enqueue_indirect_dma source(%dma_start3A_93 : memref<10000x128xf32, #tpu.memory_space<hbm>>) target(%arg16 : memref<32x128xf32, #tpu.memory_space<vmem>>) offsets(%arg12 : memref<32xi32, #tpu.memory_space<vmem>>) semaphore(%arg27 : memref<!tpu.dma_semaphore, #tpu.memory_space<semaphore_mem>>)
      %dma_start3A_94 = arith.constant 0 : i32
      %dma_start3A_95 = arith.constant 0 : i32
      %dma_start3A_96 = tpu.memref_slice %arg3[%dma_start3A_94, %dma_start3A_95] : memref<10000x128xf32, #tpu.memory_space<hbm>> -> memref<10000x128xf32, #tpu.memory_space<hbm>>
      tpu.enqueue_indirect_dma source(%dma_start3A_96 : memref<10000x128xf32, #tpu.memory_space<hbm>>) target(%arg17 : memref<32x128xf32, #tpu.memory_space<vmem>>) offsets(%arg11 : memref<32xi32, #tpu.memory_space<vmem>>) semaphore(%arg27 : memref<!tpu.dma_semaphore, #tpu.memory_space<semaphore_mem>>)
      %dma_start3A_97 = arith.constant 0 : i32
      %dma_start3A_98 = arith.constant 0 : i32
      %dma_start3A_99 = tpu.memref_slice %arg4[%dma_start3A_97, %dma_start3A_98] : memref<10000x128xf32, #tpu.memory_space<hbm>> -> memref<10000x128xf32, #tpu.memory_space<hbm>>
      tpu.enqueue_indirect_dma source(%dma_start3A_99 : memref<10000x128xf32, #tpu.memory_space<hbm>>) target(%arg18 : memref<32x128xf32, #tpu.memory_space<vmem>>) offsets(%arg11 : memref<32xi32, #tpu.memory_space<vmem>>) semaphore(%arg27 : memref<!tpu.dma_semaphore, #tpu.memory_space<semaphore_mem>>)
      %dma_start3A_100 = arith.constant 0 : i32
      %dma_start3A_101 = tpu.memref_slice %arg5[%mul3A_88, %dma_start3A_100] : memref<320000x128xf32, #tpu.memory_space<hbm>> -> memref<32x128xf32, #tpu.memory_space<hbm>>
      %dma_start3A_102 = arith.constant 0 : i32
      %dma_start3A_103 = tpu.memref_slice %arg5[%mul3A_88, %dma_start3A_102] : memref<320000x128xf32, #tpu.memory_space<hbm>> -> memref<32x128xf32, #tpu.memory_space<hbm>>
      tpu.enqueue_dma source(%dma_start3A_103 : memref<32x128xf32, #tpu.memory_space<hbm>>) target(%arg19 : memref<32x128xf32, #tpu.memory_space<vmem>>) target_semaphore(%arg27 : memref<!tpu.dma_semaphore, #tpu.memory_space<semaphore_mem>>)
    } else {
    }
    %scan3A = arith.constant 0 : i32
    %scan3A_71 = arith.constant 0 : i32
    %scan3A_72 = arith.constant 157 : i32
    %scan3A_73 = arith.addi %scan3A_71, %scan3A_72 : i32
    %scan3A_74 = arith.constant 1 : i32
    scf.for %scan3A_87 = %scan3A_71 to %scan3A_73 step %scan3A_74  : i32 {
      %mul3A_88 = arith.constant 2 : i32
      %mul3A_89 = arith.muli %mul3A_88, %scan3A_87 : i32
      %add3A_90 = arith.constant 1 : i32
      %add3A_91 = arith.addi %mul3A_89, %add3A_90 : i32
      %mul3A_92 = arith.constant 32 : i32
      %mul3A_93 = arith.muli %add3A_91, %mul3A_92 : i32
      %add3A_94 = arith.addi %mul3A_93, %add3A : i32
      %lt3A_95 = arith.constant 10000 : i32
      %lt3A_96 = arith.cmpi slt, %add3A_94, %lt3A_95 : i32
      %convert_element_type3A_97 = arith.extui %lt3A_96 : i1 to i32
      %cond3A_98 = arith.constant 0 : i32
      %cond3A_99 = arith.cmpi ne, %convert_element_type3A_97, %cond3A_98 : i32
      scf.if %cond3A_99 {
        %mul3A_128 = arith.constant 32 : i32
        %mul3A_129 = arith.muli %add3A_94, %mul3A_128 : i32
        %dma_wait3A = tpu.memref_slice %arg6[%mul3A_129] : memref<320000xi32, #tpu.memory_space<hbm>> -> memref<32xi32, #tpu.memory_space<hbm>>
        %dma_wait3A_130 = tpu.memref_slice %arg6[%mul3A_129] : memref<320000xi32, #tpu.memory_space<hbm>> -> memref<32xi32, #tpu.memory_space<hbm>>
        tpu.wait_dma2 semaphore(%arg30 : memref<!tpu.dma_semaphore, #tpu.memory_space<semaphore_mem>>) src(%dma_wait3A_130 : memref<32xi32, #tpu.memory_space<hbm>>) dst(%arg13 : memref<32xi32, #tpu.memory_space<vmem>>)
        %dma_wait3A_131 = tpu.memref_slice %arg7[%mul3A_129] : memref<320000xi32, #tpu.memory_space<hbm>> -> memref<32xi32, #tpu.memory_space<hbm>>
        %dma_wait3A_132 = tpu.memref_slice %arg7[%mul3A_129] : memref<320000xi32, #tpu.memory_space<hbm>> -> memref<32xi32, #tpu.memory_space<hbm>>
        tpu.wait_dma2 semaphore(%arg30 : memref<!tpu.dma_semaphore, #tpu.memory_space<semaphore_mem>>) src(%dma_wait3A_132 : memref<32xi32, #tpu.memory_space<hbm>>) dst(%arg14 : memref<32xi32, #tpu.memory_space<vmem>>)
        %dma_start3A = arith.constant 0 : i32
        %dma_start3A_133 = arith.constant 0 : i32
        %dma_start3A_134 = tpu.memref_slice %arg2[%dma_start3A, %dma_start3A_133] : memref<10000x128xf32, #tpu.memory_space<hbm>> -> memref<10000x128xf32, #tpu.memory_space<hbm>>
        tpu.enqueue_indirect_dma source(%dma_start3A_134 : memref<10000x128xf32, #tpu.memory_space<hbm>>) target(%arg20 : memref<32x128xf32, #tpu.memory_space<vmem>>) offsets(%arg14 : memref<32xi32, #tpu.memory_space<vmem>>) semaphore(%arg28 : memref<!tpu.dma_semaphore, #tpu.memory_space<semaphore_mem>>)
        %dma_start3A_135 = arith.constant 0 : i32
        %dma_start3A_136 = arith.constant 0 : i32
        %dma_start3A_137 = tpu.memref_slice %arg3[%dma_start3A_135, %dma_start3A_136] : memref<10000x128xf32, #tpu.memory_space<hbm>> -> memref<10000x128xf32, #tpu.memory_space<hbm>>
        tpu.enqueue_indirect_dma source(%dma_start3A_137 : memref<10000x128xf32, #tpu.memory_space<hbm>>) target(%arg21 : memref<32x128xf32, #tpu.memory_space<vmem>>) offsets(%arg13 : memref<32xi32, #tpu.memory_space<vmem>>) semaphore(%arg28 : memref<!tpu.dma_semaphore, #tpu.memory_space<semaphore_mem>>)
        %dma_start3A_138 = arith.constant 0 : i32
        %dma_start3A_139 = arith.constant 0 : i32
        %dma_start3A_140 = tpu.memref_slice %arg4[%dma_start3A_138, %dma_start3A_139] : memref<10000x128xf32, #tpu.memory_space<hbm>> -> memref<10000x128xf32, #tpu.memory_space<hbm>>
        tpu.enqueue_indirect_dma source(%dma_start3A_140 : memref<10000x128xf32, #tpu.memory_space<hbm>>) target(%arg22 : memref<32x128xf32, #tpu.memory_space<vmem>>) offsets(%arg13 : memref<32xi32, #tpu.memory_space<vmem>>) semaphore(%arg28 : memref<!tpu.dma_semaphore, #tpu.memory_space<semaphore_mem>>)
        %dma_start3A_141 = arith.constant 0 : i32
        %dma_start3A_142 = tpu.memref_slice %arg5[%mul3A_129, %dma_start3A_141] : memref<320000x128xf32, #tpu.memory_space<hbm>> -> memref<32x128xf32, #tpu.memory_space<hbm>>
        %dma_start3A_143 = arith.constant 0 : i32
        %dma_start3A_144 = tpu.memref_slice %arg5[%mul3A_129, %dma_start3A_143] : memref<320000x128xf32, #tpu.memory_space<hbm>> -> memref<32x128xf32, #tpu.memory_space<hbm>>
        tpu.enqueue_dma source(%dma_start3A_144 : memref<32x128xf32, #tpu.memory_space<hbm>>) target(%arg23 : memref<32x128xf32, #tpu.memory_space<vmem>>) target_semaphore(%arg28 : memref<!tpu.dma_semaphore, #tpu.memory_space<semaphore_mem>>)
      } else {
      }
      %mul3A_100 = arith.constant 32 : i32
      %mul3A_101 = arith.muli %mul3A_89, %mul3A_100 : i32
      %add3A_102 = arith.addi %mul3A_101, %add3A : i32
      %lt3A_103 = arith.constant 10000 : i32
      %lt3A_104 = arith.cmpi slt, %add3A_102, %lt3A_103 : i32
      %convert_element_type3A_105 = arith.extui %lt3A_104 : i1 to i32
      %cond3A_106 = arith.constant 0 : i32
      %cond3A_107 = arith.cmpi ne, %convert_element_type3A_105, %cond3A_106 : i32
      scf.if %cond3A_107 {
        %dma_wait3A = arith.constant 0 : i32
        %dma_wait3A_128 = arith.constant 0 : i32
        %dma_wait3A_129 = tpu.memref_slice %arg2[%dma_wait3A, %dma_wait3A_128] : memref<10000x128xf32, #tpu.memory_space<hbm>> -> memref<10000x128xf32, #tpu.memory_space<hbm>>
        tpu.wait_indirect_dma semaphore(%arg27 : memref<!tpu.dma_semaphore, #tpu.memory_space<semaphore_mem>>) src(%dma_wait3A_129 : memref<10000x128xf32, #tpu.memory_space<hbm>>) dst(%arg16 : memref<32x128xf32, #tpu.memory_space<vmem>>)
        %dma_wait3A_130 = arith.constant 0 : i32
        %dma_wait3A_131 = arith.constant 0 : i32
        %dma_wait3A_132 = tpu.memref_slice %arg3[%dma_wait3A_130, %dma_wait3A_131] : memref<10000x128xf32, #tpu.memory_space<hbm>> -> memref<10000x128xf32, #tpu.memory_space<hbm>>
        tpu.wait_indirect_dma semaphore(%arg27 : memref<!tpu.dma_semaphore, #tpu.memory_space<semaphore_mem>>) src(%dma_wait3A_132 : memref<10000x128xf32, #tpu.memory_space<hbm>>) dst(%arg17 : memref<32x128xf32, #tpu.memory_space<vmem>>)
        %dma_wait3A_133 = arith.constant 0 : i32
        %dma_wait3A_134 = arith.constant 0 : i32
        %dma_wait3A_135 = tpu.memref_slice %arg4[%dma_wait3A_133, %dma_wait3A_134] : memref<10000x128xf32, #tpu.memory_space<hbm>> -> memref<10000x128xf32, #tpu.memory_space<hbm>>
        tpu.wait_indirect_dma semaphore(%arg27 : memref<!tpu.dma_semaphore, #tpu.memory_space<semaphore_mem>>) src(%dma_wait3A_135 : memref<10000x128xf32, #tpu.memory_space<hbm>>) dst(%arg18 : memref<32x128xf32, #tpu.memory_space<vmem>>)
        %dma_wait3A_136 = arith.constant 0 : i32
        %dma_wait3A_137 = arith.constant 0 : i32
        %dma_wait3A_138 = tpu.memref_slice %arg5[%dma_wait3A_136, %dma_wait3A_137] : memref<320000x128xf32, #tpu.memory_space<hbm>> -> memref<32x128xf32, #tpu.memory_space<hbm>>
        %dma_wait3A_139 = arith.constant 0 : i32
        %dma_wait3A_140 = arith.constant 0 : i32
        %dma_wait3A_141 = tpu.memref_slice %arg5[%dma_wait3A_139, %dma_wait3A_140] : memref<320000x128xf32, #tpu.memory_space<hbm>> -> memref<32x128xf32, #tpu.memory_space<hbm>>
        tpu.wait_dma2 semaphore(%arg27 : memref<!tpu.dma_semaphore, #tpu.memory_space<semaphore_mem>>) src(%dma_wait3A_141 : memref<32x128xf32, #tpu.memory_space<hbm>>) dst(%arg19 : memref<32x128xf32, #tpu.memory_space<vmem>>)
        %get3A = arith.constant 0 : index
        %get3A_142 = tpu.vector_load %arg12[%get3A] {strides = array<i32>} : memref<32xi32, #tpu.memory_space<vmem>>, vector<16xi32>,
        %swap3A = arith.constant 0 : index
        %swap3A_143 = tpu.vector_load %arg15[%swap3A] {strides = array<i32>} : memref<64xi32, #tpu.memory_space<vmem>>, vector<16xi32>,
        tpu.vector_store %arg15[%swap3A], %get3A_142 {strides = array<i32>} : memref<64xi32, #tpu.memory_space<vmem>>, vector<16xi32>,
        %shift_right_logical3A = arith.constant 4 : i32
        %shift_right_logical3A_144 = vector.broadcast %shift_right_logical3A : i32 to vector<16xi32>
        %shift_right_logical3A_145 = arith.shrui %get3A_142, %shift_right_logical3A_144 : vector<16xi32>
        %add3A_146 = arith.constant 10240 : i32
        %add3A_147 = vector.broadcast %add3A_146 : i32 to vector<16xi32>
        %add3A_148 = arith.addi %shift_right_logical3A_145, %add3A_147 : vector<16xi32>
        %swap3A_149 = arith.constant 32 : index
        %swap3A_150 = tpu.vector_load %arg15[%swap3A_149] {strides = array<i32>} : memref<64xi32, #tpu.memory_space<vmem>>, vector<16xi32>,
        tpu.vector_store %arg15[%swap3A_149], %add3A_148 {strides = array<i32>} : memref<64xi32, #tpu.memory_space<vmem>>, vector<16xi32>,
        %get3A_151 = arith.constant 16 : index
        %get3A_152 = tpu.vector_load %arg12[%get3A_151] {strides = array<i32>} : memref<32xi32, #tpu.memory_space<vmem>>, vector<16xi32>,
        %swap3A_153 = arith.constant 16 : index
        %swap3A_154 = tpu.vector_load %arg15[%swap3A_153] {strides = array<i32>} : memref<64xi32, #tpu.memory_space<vmem>>, vector<16xi32>,
        tpu.vector_store %arg15[%swap3A_153], %get3A_152 {strides = array<i32>} : memref<64xi32, #tpu.memory_space<vmem>>, vector<16xi32>,
        %shift_right_logical3A_155 = arith.constant 4 : i32
        %shift_right_logical3A_156 = vector.broadcast %shift_right_logical3A_155 : i32 to vector<16xi32>
        %shift_right_logical3A_157 = arith.shrui %get3A_152, %shift_right_logical3A_156 : vector<16xi32>
        %add3A_158 = arith.constant 10240 : i32
        %add3A_159 = vector.broadcast %add3A_158 : i32 to vector<16xi32>
        %add3A_160 = arith.addi %shift_right_logical3A_157, %add3A_159 : vector<16xi32>
        %swap3A_161 = arith.constant 48 : index
        %swap3A_162 = tpu.vector_load %arg15[%swap3A_161] {strides = array<i32>} : memref<64xi32, #tpu.memory_space<vmem>>, vector<16xi32>,
        tpu.vector_store %arg15[%swap3A_161], %add3A_160 {strides = array<i32>} : memref<64xi32, #tpu.memory_space<vmem>>, vector<16xi32>,
        %add3A_163 = arith.constant 2 : i32
        %add3A_164 = arith.addi %mul3A_89, %add3A_163 : i32
        %mul3A_165 = arith.constant 32 : i32
        %mul3A_166 = arith.muli %add3A_164, %mul3A_165 : i32
        %add3A_167 = arith.addi %mul3A_166, %add3A : i32
        %lt3A_168 = arith.constant 10000 : i32
        %lt3A_169 = arith.cmpi slt, %add3A_167, %lt3A_168 : i32
        %convert_element_type3A_170 = arith.extui %lt3A_169 : i1 to i32
        %cond3A_171 = arith.constant 0 : i32
        %cond3A_172 = arith.cmpi ne, %convert_element_type3A_170, %cond3A_171 : i32
        scf.if %cond3A_172 {
          %mul3A_179 = arith.constant 32 : i32
          %mul3A_180 = arith.muli %add3A_167, %mul3A_179 : i32
          %dma_start3A = tpu.memref_slice %arg6[%mul3A_180] : memref<320000xi32, #tpu.memory_space<hbm>> -> memref<32xi32, #tpu.memory_space<hbm>>
          %dma_start3A_181 = tpu.memref_slice %arg6[%mul3A_180] : memref<320000xi32, #tpu.memory_space<hbm>> -> memref<32xi32, #tpu.memory_space<hbm>>
          tpu.enqueue_dma source(%dma_start3A_181 : memref<32xi32, #tpu.memory_space<hbm>>) target(%arg11 : memref<32xi32, #tpu.memory_space<vmem>>) target_semaphore(%arg29 : memref<!tpu.dma_semaphore, #tpu.memory_space<semaphore_mem>>)
          %dma_start3A_182 = tpu.memref_slice %arg7[%mul3A_180] : memref<320000xi32, #tpu.memory_space<hbm>> -> memref<32xi32, #tpu.memory_space<hbm>>
          %dma_start3A_183 = tpu.memref_slice %arg7[%mul3A_180] : memref<320000xi32, #tpu.memory_space<hbm>> -> memref<32xi32, #tpu.memory_space<hbm>>
          tpu.enqueue_dma source(%dma_start3A_183 : memref<32xi32, #tpu.memory_space<hbm>>) target(%arg12 : memref<32xi32, #tpu.memory_space<vmem>>) target_semaphore(%arg29 : memref<!tpu.dma_semaphore, #tpu.memory_space<semaphore_mem>>)
        } else {
        }
        %scan3A_173 = arith.constant 0 : i32
        %scan3A_174 = arith.constant 0 : i32
        %scan3A_175 = arith.constant 32 : i32
        %scan3A_176 = arith.addi %scan3A_174, %scan3A_175 : i32
        %scan3A_177 = arith.constant 1 : i32
        scf.for %scan3A_179 = %scan3A_174 to %scan3A_176 step %scan3A_177  : i32 {
          %jit3A = arith.constant 16 : i32
          %div3A = arith.divsi %scan3A_179, %jit3A : i32
          %sign3A = arith.constant 0 : i32
          %sign3A_180 = arith.cmpi sgt, %scan3A_179, %sign3A : i32
          %sign3A_181 = arith.extui %sign3A_180 : i1 to i32
          %sign3A_182 = arith.constant 0 : i32
          %sign3A_183 = arith.cmpi slt, %scan3A_179, %sign3A_182 : i32
          %sign3A_184 = arith.extui %sign3A_183 : i1 to i32
          %sign3A_185 = arith.subi %sign3A_181, %sign3A_184 : i32
          %sign3A_186 = arith.constant 0 : i32
          %sign3A_187 = arith.cmpi sgt, %jit3A, %sign3A_186 : i32
          %sign3A_188 = arith.extui %sign3A_187 : i1 to i32
          %sign3A_189 = arith.constant 0 : i32
          %sign3A_190 = arith.cmpi slt, %jit3A, %sign3A_189 : i32
          %sign3A_191 = arith.extui %sign3A_190 : i1 to i32
          %sign3A_192 = arith.subi %sign3A_188, %sign3A_191 : i32
          %ne3A = arith.cmpi ne, %sign3A_185, %sign3A_192 : i32
          %rem3A = arith.remsi %scan3A_179, %jit3A : i32
          %ne3A_193 = arith.constant 0 : i32
          %ne3A_194 = arith.cmpi ne, %rem3A, %ne3A_193 : i32
          %and3A_195 = arith.andi %ne3A, %ne3A_194 : i1
          %sub3A = arith.constant 1 : i32
          %sub3A_196 = arith.subi %div3A, %sub3A : i32
          %select_n3A = arith.select %and3A_195, %sub3A_196, %div3A : i32
          %mul3A_197 = arith.constant 16 : i32
          %mul3A_198 = arith.muli %select_n3A, %mul3A_197 : i32
          %get3A_199 = arith.index_cast %mul3A_198 : i32 to index
          %get3A_200 = tpu.vector_load %arg15[%get3A_199] {strides = array<i32>} : memref<64xi32, #tpu.memory_space<vmem>>, vector<16xi32>,
          %jit3A_201 = arith.constant 16 : i32
          %eq3A_202 = arith.constant 0 : i32
          %eq3A_203 = arith.cmpi eq, %jit3A_201, %eq3A_202 : i32
          %jit3A_204 = arith.constant 1 : i32
          %select_n3A_205 = arith.select %eq3A_203, %jit3A_204, %jit3A_201 : i32
          %rem3A_206 = arith.remsi %scan3A_179, %select_n3A_205 : i32
          %ne3A_207 = arith.constant 0 : i32
          %ne3A_208 = arith.cmpi ne, %rem3A_206, %ne3A_207 : i32
          %lt3A_209 = arith.constant 0 : i32
          %lt3A_210 = arith.cmpi slt, %rem3A_206, %lt3A_209 : i32
          %lt3A_211 = arith.constant 0 : i32
          %lt3A_212 = arith.cmpi slt, %select_n3A_205, %lt3A_211 : i32
          %ne3A_213 = arith.xori %lt3A_210, %lt3A_212 : i1
          %and3A_214 = arith.andi %ne3A_213, %ne3A_208 : i1
          %add3A_215 = arith.addi %rem3A_206, %select_n3A_205 : i32
          %select_n3A_216 = arith.select %and3A_214, %add3A_215, %rem3A_206 : i32
          %broadcast_in_dim3A_217 = vector.broadcast %select_n3A_216 : i32 to vector<16xi32>
          %broadcast_in_dim3A_218 = vector.shape_cast %broadcast_in_dim3A_217 : vector<16xi32> to vector<16x1xi32>
          %gather3A = vector.shape_cast %broadcast_in_dim3A_218 : vector<16x1xi32> to vector<16xi32>
          %gather3A_219 = tpu.dynamic_gather %get3A_200[%gather3A] in [0] : vector<16xi32>, vector<16xi32> -> vector<16xi32>
          %get3A_220 = arith.index_cast %scan3A_179 : i32 to index
          %get3A_221 = arith.constant 0 : index
          %get3A_222 = tpu.vector_load %arg19[%get3A_220, %get3A_221] {strides = array<i32>} : memref<32x128xf32, #tpu.memory_space<vmem>>, vector<16xf32>,
          %get3A_223 = arith.index_cast %scan3A_179 : i32 to index
          %get3A_224 = arith.constant 0 : index
          %get3A_225 = tpu.vector_load %arg16[%get3A_223, %get3A_224] {strides = array<i32>} : memref<32x128xf32, #tpu.memory_space<vmem>>, vector<16xf32>,
          %get3A_226 = arith.index_cast %scan3A_179 : i32 to index
          %get3A_227 = arith.constant 0 : index
          %get3A_228 = tpu.vector_load %arg17[%get3A_226, %get3A_227] {strides = array<i32>} : memref<32x128xf32, #tpu.memory_space<vmem>>, vector<16xf32>,
          %add3A_229 = arith.addf %get3A_228, %get3A_222 : vector<16xf32>
          %mul3A_230 = arith.mulf %get3A_225, %add3A_229 : vector<16xf32>
          %get3A_231 = arith.index_cast %scan3A_179 : i32 to index
          %get3A_232 = arith.constant 0 : index
          %get3A_233 = tpu.vector_load %arg18[%get3A_231, %get3A_232] {strides = array<i32>} : memref<32x128xf32, #tpu.memory_space<vmem>>, vector<16xf32>,
          %add3A_234 = arith.addf %get3A_233, %get3A_222 : vector<16xf32>
          %get3A_235 = arith.index_cast %scan3A_179 : i32 to index
          %get3A_236 = arith.constant 16 : index
          %get3A_237 = tpu.vector_load %arg19[%get3A_235, %get3A_236] {strides = array<i32>} : memref<32x128xf32, #tpu.memory_space<vmem>>, vector<16xf32>,
          %get3A_238 = arith.index_cast %scan3A_179 : i32 to index
          %get3A_239 = arith.constant 16 : index
          %get3A_240 = tpu.vector_load %arg16[%get3A_238, %get3A_239] {strides = array<i32>} : memref<32x128xf32, #tpu.memory_space<vmem>>, vector<16xf32>,
          %get3A_241 = arith.index_cast %scan3A_179 : i32 to index
          %get3A_242 = arith.constant 16 : index
          %get3A_243 = tpu.vector_load %arg17[%get3A_241, %get3A_242] {strides = array<i32>} : memref<32x128xf32, #tpu.memory_space<vmem>>, vector<16xf32>,
          %add3A_244 = arith.addf %get3A_243, %get3A_237 : vector<16xf32>
          %mul3A_245 = arith.mulf %get3A_240, %add3A_244 : vector<16xf32>
          %get3A_246 = arith.index_cast %scan3A_179 : i32 to index
          %get3A_247 = arith.constant 16 : index
          %get3A_248 = tpu.vector_load %arg18[%get3A_246, %get3A_247] {strides = array<i32>} : memref<32x128xf32, #tpu.memory_space<vmem>>, vector<16xf32>,
          %add3A_249 = arith.addf %get3A_248, %get3A_237 : vector<16xf32>
          %get3A_250 = arith.index_cast %scan3A_179 : i32 to index
          %get3A_251 = arith.constant 32 : index
          %get3A_252 = tpu.vector_load %arg19[%get3A_250, %get3A_251] {strides = array<i32>} : memref<32x128xf32, #tpu.memory_space<vmem>>, vector<16xf32>,
          %get3A_253 = arith.index_cast %scan3A_179 : i32 to index
          %get3A_254 = arith.constant 32 : index
          %get3A_255 = tpu.vector_load %arg16[%get3A_253, %get3A_254] {strides = array<i32>} : memref<32x128xf32, #tpu.memory_space<vmem>>, vector<16xf32>,
          %get3A_256 = arith.index_cast %scan3A_179 : i32 to index
          %get3A_257 = arith.constant 32 : index
          %get3A_258 = tpu.vector_load %arg17[%get3A_256, %get3A_257] {strides = array<i32>} : memref<32x128xf32, #tpu.memory_space<vmem>>, vector<16xf32>,
          %add3A_259 = arith.addf %get3A_258, %get3A_252 : vector<16xf32>
          %mul3A_260 = arith.mulf %get3A_255, %add3A_259 : vector<16xf32>
          %get3A_261 = arith.index_cast %scan3A_179 : i32 to index
          %get3A_262 = arith.constant 32 : index
          %get3A_263 = tpu.vector_load %arg18[%get3A_261, %get3A_262] {strides = array<i32>} : memref<32x128xf32, #tpu.memory_space<vmem>>, vector<16xf32>,
          %add3A_264 = arith.addf %get3A_263, %get3A_252 : vector<16xf32>
          %get3A_265 = arith.index_cast %scan3A_179 : i32 to index
          %get3A_266 = arith.constant 48 : index
          %get3A_267 = tpu.vector_load %arg19[%get3A_265, %get3A_266] {strides = array<i32>} : memref<32x128xf32, #tpu.memory_space<vmem>>, vector<16xf32>,
          %get3A_268 = arith.index_cast %scan3A_179 : i32 to index
          %get3A_269 = arith.constant 48 : index
          %get3A_270 = tpu.vector_load %arg16[%get3A_268, %get3A_269] {strides = array<i32>} : memref<32x128xf32, #tpu.memory_space<vmem>>, vector<16xf32>,
          %get3A_271 = arith.index_cast %scan3A_179 : i32 to index
          %get3A_272 = arith.constant 48 : index
          %get3A_273 = tpu.vector_load %arg17[%get3A_271, %get3A_272] {strides = array<i32>} : memref<32x128xf32, #tpu.memory_space<vmem>>, vector<16xf32>,
          %add3A_274 = arith.addf %get3A_273, %get3A_267 : vector<16xf32>
          %mul3A_275 = arith.mulf %get3A_270, %add3A_274 : vector<16xf32>
          %get3A_276 = arith.index_cast %scan3A_179 : i32 to index
          %get3A_277 = arith.constant 48 : index
          %get3A_278 = tpu.vector_load %arg18[%get3A_276, %get3A_277] {strides = array<i32>} : memref<32x128xf32, #tpu.memory_space<vmem>>, vector<16xf32>,
          %add3A_279 = arith.addf %get3A_278, %get3A_267 : vector<16xf32>
          %get3A_280 = arith.index_cast %scan3A_179 : i32 to index
          %get3A_281 = arith.constant 64 : index
          %get3A_282 = tpu.vector_load %arg19[%get3A_280, %get3A_281] {strides = array<i32>} : memref<32x128xf32, #tpu.memory_space<vmem>>, vector<16xf32>,
          %get3A_283 = arith.index_cast %scan3A_179 : i32 to index
          %get3A_284 = arith.constant 64 : index
          %get3A_285 = tpu.vector_load %arg16[%get3A_283, %get3A_284] {strides = array<i32>} : memref<32x128xf32, #tpu.memory_space<vmem>>, vector<16xf32>,
          %get3A_286 = arith.index_cast %scan3A_179 : i32 to index
          %get3A_287 = arith.constant 64 : index
          %get3A_288 = tpu.vector_load %arg17[%get3A_286, %get3A_287] {strides = array<i32>} : memref<32x128xf32, #tpu.memory_space<vmem>>, vector<16xf32>,
          %add3A_289 = arith.addf %get3A_288, %get3A_282 : vector<16xf32>
          %mul3A_290 = arith.mulf %get3A_285, %add3A_289 : vector<16xf32>
          %get3A_291 = arith.index_cast %scan3A_179 : i32 to index
          %get3A_292 = arith.constant 64 : index
          %get3A_293 = tpu.vector_load %arg18[%get3A_291, %get3A_292] {strides = array<i32>} : memref<32x128xf32, #tpu.memory_space<vmem>>, vector<16xf32>,
          %add3A_294 = arith.addf %get3A_293, %get3A_282 : vector<16xf32>
          %get3A_295 = arith.index_cast %scan3A_179 : i32 to index
          %get3A_296 = arith.constant 80 : index
          %get3A_297 = tpu.vector_load %arg19[%get3A_295, %get3A_296] {strides = array<i32>} : memref<32x128xf32, #tpu.memory_space<vmem>>, vector<16xf32>,
          %get3A_298 = arith.index_cast %scan3A_179 : i32 to index
          %get3A_299 = arith.constant 80 : index
          %get3A_300 = tpu.vector_load %arg16[%get3A_298, %get3A_299] {strides = array<i32>} : memref<32x128xf32, #tpu.memory_space<vmem>>, vector<16xf32>,
          %get3A_301 = arith.index_cast %scan3A_179 : i32 to index
          %get3A_302 = arith.constant 80 : index
          %get3A_303 = tpu.vector_load %arg17[%get3A_301, %get3A_302] {strides = array<i32>} : memref<32x128xf32, #tpu.memory_space<vmem>>, vector<16xf32>,
          %add3A_304 = arith.addf %get3A_303, %get3A_297 : vector<16xf32>
          %mul3A_305 = arith.mulf %get3A_300, %add3A_304 : vector<16xf32>
          %get3A_306 = arith.index_cast %scan3A_179 : i32 to index
          %get3A_307 = arith.constant 80 : index
          %get3A_308 = tpu.vector_load %arg18[%get3A_306, %get3A_307] {strides = array<i32>} : memref<32x128xf32, #tpu.memory_space<vmem>>, vector<16xf32>,
          %add3A_309 = arith.addf %get3A_308, %get3A_297 : vector<16xf32>
          %get3A_310 = arith.index_cast %scan3A_179 : i32 to index
          %get3A_311 = arith.constant 96 : index
          %get3A_312 = tpu.vector_load %arg19[%get3A_310, %get3A_311] {strides = array<i32>} : memref<32x128xf32, #tpu.memory_space<vmem>>, vector<16xf32>,
          %get3A_313 = arith.index_cast %scan3A_179 : i32 to index
          %get3A_314 = arith.constant 96 : index
          %get3A_315 = tpu.vector_load %arg16[%get3A_313, %get3A_314] {strides = array<i32>} : memref<32x128xf32, #tpu.memory_space<vmem>>, vector<16xf32>,
          %get3A_316 = arith.index_cast %scan3A_179 : i32 to index
          %get3A_317 = arith.constant 96 : index
          %get3A_318 = tpu.vector_load %arg17[%get3A_316, %get3A_317] {strides = array<i32>} : memref<32x128xf32, #tpu.memory_space<vmem>>, vector<16xf32>,
          %add3A_319 = arith.addf %get3A_318, %get3A_312 : vector<16xf32>
          %mul3A_320 = arith.mulf %get3A_315, %add3A_319 : vector<16xf32>
          %get3A_321 = arith.index_cast %scan3A_179 : i32 to index
          %get3A_322 = arith.constant 96 : index
          %get3A_323 = tpu.vector_load %arg18[%get3A_321, %get3A_322] {strides = array<i32>} : memref<32x128xf32, #tpu.memory_space<vmem>>, vector<16xf32>,
          %add3A_324 = arith.addf %get3A_323, %get3A_312 : vector<16xf32>
          %get3A_325 = arith.index_cast %scan3A_179 : i32 to index
          %get3A_326 = arith.constant 112 : index
          %get3A_327 = tpu.vector_load %arg19[%get3A_325, %get3A_326] {strides = array<i32>} : memref<32x128xf32, #tpu.memory_space<vmem>>, vector<16xf32>,
          %get3A_328 = arith.index_cast %scan3A_179 : i32 to index
          %get3A_329 = arith.constant 112 : index
          %get3A_330 = tpu.vector_load %arg16[%get3A_328, %get3A_329] {strides = array<i32>} : memref<32x128xf32, #tpu.memory_space<vmem>>, vector<16xf32>,
          %get3A_331 = arith.index_cast %scan3A_179 : i32 to index
          %get3A_332 = arith.constant 112 : index
          %get3A_333 = tpu.vector_load %arg17[%get3A_331, %get3A_332] {strides = array<i32>} : memref<32x128xf32, #tpu.memory_space<vmem>>, vector<16xf32>,
          %add3A_334 = arith.addf %get3A_333, %get3A_327 : vector<16xf32>
          %mul3A_335 = arith.mulf %get3A_330, %add3A_334 : vector<16xf32>
          %get3A_336 = arith.index_cast %scan3A_179 : i32 to index
          %get3A_337 = arith.constant 112 : index
          %get3A_338 = tpu.vector_load %arg18[%get3A_336, %get3A_337] {strides = array<i32>} : memref<32x128xf32, #tpu.memory_space<vmem>>, vector<16xf32>,
          %add3A_339 = arith.addf %get3A_338, %get3A_327 : vector<16xf32>
          %broadcast_in_dim3A_340 = vector.shape_cast %xor3A_6 : vector<16xi32> to vector<16x1xi32>
          %gather3A_341 = vector.shape_cast %broadcast_in_dim3A_340 : vector<16x1xi32> to vector<16xi32>
          %gather3A_342 = tpu.dynamic_gather %mul3A_230[%gather3A_341] in [0] : vector<16xf32>, vector<16xi32> -> vector<16xf32>
          %add3A_343 = arith.addf %mul3A_230, %gather3A_342 : vector<16xf32>
          %broadcast_in_dim3A_344 = vector.shape_cast %xor3A_6 : vector<16xi32> to vector<16x1xi32>
          %gather3A_345 = vector.shape_cast %broadcast_in_dim3A_344 : vector<16x1xi32> to vector<16xi32>
          %gather3A_346 = tpu.dynamic_gather %mul3A_245[%gather3A_345] in [0] : vector<16xf32>, vector<16xi32> -> vector<16xf32>
          %add3A_347 = arith.addf %mul3A_245, %gather3A_346 : vector<16xf32>
          %select_n3A_348 = arith.select %eq3A_20, %add3A_343, %add3A_347 : vector<16xi1>, vector<16xf32>
          %broadcast_in_dim3A_349 = vector.shape_cast %xor3A_6 : vector<16xi32> to vector<16x1xi32>
          %gather3A_350 = vector.shape_cast %broadcast_in_dim3A_349 : vector<16x1xi32> to vector<16xi32>
          %gather3A_351 = tpu.dynamic_gather %mul3A_260[%gather3A_350] in [0] : vector<16xf32>, vector<16xi32> -> vector<16xf32>
          %add3A_352 = arith.addf %mul3A_260, %gather3A_351 : vector<16xf32>
          %broadcast_in_dim3A_353 = vector.shape_cast %xor3A_6 : vector<16xi32> to vector<16x1xi32>
          %gather3A_354 = vector.shape_cast %broadcast_in_dim3A_353 : vector<16x1xi32> to vector<16xi32>
          %gather3A_355 = tpu.dynamic_gather %mul3A_275[%gather3A_354] in [0] : vector<16xf32>, vector<16xi32> -> vector<16xf32>
          %add3A_356 = arith.addf %mul3A_275, %gather3A_355 : vector<16xf32>
          %select_n3A_357 = arith.select %eq3A_20, %add3A_352, %add3A_356 : vector<16xi1>, vector<16xf32>
          %broadcast_in_dim3A_358 = vector.shape_cast %xor3A_6 : vector<16xi32> to vector<16x1xi32>
          %gather3A_359 = vector.shape_cast %broadcast_in_dim3A_358 : vector<16x1xi32> to vector<16xi32>
          %gather3A_360 = tpu.dynamic_gather %mul3A_290[%gather3A_359] in [0] : vector<16xf32>, vector<16xi32> -> vector<16xf32>
          %add3A_361 = arith.addf %mul3A_290, %gather3A_360 : vector<16xf32>
          %broadcast_in_dim3A_362 = vector.shape_cast %xor3A_6 : vector<16xi32> to vector<16x1xi32>
          %gather3A_363 = vector.shape_cast %broadcast_in_dim3A_362 : vector<16x1xi32> to vector<16xi32>
          %gather3A_364 = tpu.dynamic_gather %mul3A_305[%gather3A_363] in [0] : vector<16xf32>, vector<16xi32> -> vector<16xf32>
          %add3A_365 = arith.addf %mul3A_305, %gather3A_364 : vector<16xf32>
          %select_n3A_366 = arith.select %eq3A_20, %add3A_361, %add3A_365 : vector<16xi1>, vector<16xf32>
          %broadcast_in_dim3A_367 = vector.shape_cast %xor3A_6 : vector<16xi32> to vector<16x1xi32>
          %gather3A_368 = vector.shape_cast %broadcast_in_dim3A_367 : vector<16x1xi32> to vector<16xi32>
          %gather3A_369 = tpu.dynamic_gather %mul3A_320[%gather3A_368] in [0] : vector<16xf32>, vector<16xi32> -> vector<16xf32>
          %add3A_370 = arith.addf %mul3A_320, %gather3A_369 : vector<16xf32>
          %broadcast_in_dim3A_371 = vector.shape_cast %xor3A_6 : vector<16xi32> to vector<16x1xi32>
          %gather3A_372 = vector.shape_cast %broadcast_in_dim3A_371 : vector<16x1xi32> to vector<16xi32>
          %gather3A_373 = tpu.dynamic_gather %mul3A_335[%gather3A_372] in [0] : vector<16xf32>, vector<16xi32> -> vector<16xf32>
          %add3A_374 = arith.addf %mul3A_335, %gather3A_373 : vector<16xf32>
          %select_n3A_375 = arith.select %eq3A_20, %add3A_370, %add3A_374 : vector<16xi1>, vector<16xf32>
          %broadcast_in_dim3A_376 = vector.shape_cast %xor3A_9 : vector<16xi32> to vector<16x1xi32>
          %gather3A_377 = vector.shape_cast %broadcast_in_dim3A_376 : vector<16x1xi32> to vector<16xi32>
          %gather3A_378 = tpu.dynamic_gather %select_n3A_348[%gather3A_377] in [0] : vector<16xf32>, vector<16xi32> -> vector<16xf32>
          %add3A_379 = arith.addf %select_n3A_348, %gather3A_378 : vector<16xf32>
          %broadcast_in_dim3A_380 = vector.shape_cast %xor3A_9 : vector<16xi32> to vector<16x1xi32>
          %gather3A_381 = vector.shape_cast %broadcast_in_dim3A_380 : vector<16x1xi32> to vector<16xi32>
          %gather3A_382 = tpu.dynamic_gather %select_n3A_357[%gather3A_381] in [0] : vector<16xf32>, vector<16xi32> -> vector<16xf32>
          %add3A_383 = arith.addf %select_n3A_357, %gather3A_382 : vector<16xf32>
          %select_n3A_384 = arith.select %eq3A_26, %add3A_379, %add3A_383 : vector<16xi1>, vector<16xf32>
          %broadcast_in_dim3A_385 = vector.shape_cast %xor3A_9 : vector<16xi32> to vector<16x1xi32>
          %gather3A_386 = vector.shape_cast %broadcast_in_dim3A_385 : vector<16x1xi32> to vector<16xi32>
          %gather3A_387 = tpu.dynamic_gather %select_n3A_366[%gather3A_386] in [0] : vector<16xf32>, vector<16xi32> -> vector<16xf32>
          %add3A_388 = arith.addf %select_n3A_366, %gather3A_387 : vector<16xf32>
          %broadcast_in_dim3A_389 = vector.shape_cast %xor3A_9 : vector<16xi32> to vector<16x1xi32>
          %gather3A_390 = vector.shape_cast %broadcast_in_dim3A_389 : vector<16x1xi32> to vector<16xi32>
          %gather3A_391 = tpu.dynamic_gather %select_n3A_375[%gather3A_390] in [0] : vector<16xf32>, vector<16xi32> -> vector<16xf32>
          %add3A_392 = arith.addf %select_n3A_375, %gather3A_391 : vector<16xf32>
          %select_n3A_393 = arith.select %eq3A_26, %add3A_388, %add3A_392 : vector<16xi1>, vector<16xf32>
          %broadcast_in_dim3A_394 = vector.shape_cast %xor3A_12 : vector<16xi32> to vector<16x1xi32>
          %gather3A_395 = vector.shape_cast %broadcast_in_dim3A_394 : vector<16x1xi32> to vector<16xi32>
          %gather3A_396 = tpu.dynamic_gather %select_n3A_384[%gather3A_395] in [0] : vector<16xf32>, vector<16xi32> -> vector<16xf32>
          %add3A_397 = arith.addf %select_n3A_384, %gather3A_396 : vector<16xf32>
          %broadcast_in_dim3A_398 = vector.shape_cast %xor3A_12 : vector<16xi32> to vector<16x1xi32>
          %gather3A_399 = vector.shape_cast %broadcast_in_dim3A_398 : vector<16x1xi32> to vector<16xi32>
          %gather3A_400 = tpu.dynamic_gather %select_n3A_393[%gather3A_399] in [0] : vector<16xf32>, vector<16xi32> -> vector<16xf32>
          %add3A_401 = arith.addf %select_n3A_393, %gather3A_400 : vector<16xf32>
          %select_n3A_402 = arith.select %eq3A_32, %add3A_397, %add3A_401 : vector<16xi1>, vector<16xf32>
          %broadcast_in_dim3A_403 = vector.shape_cast %xor3A_15 : vector<16xi32> to vector<16x1xi32>
          %gather3A_404 = vector.shape_cast %broadcast_in_dim3A_403 : vector<16x1xi32> to vector<16xi32>
          %gather3A_405 = tpu.dynamic_gather %select_n3A_402[%gather3A_404] in [0] : vector<16xf32>, vector<16xi32> -> vector<16xf32>
          %add3A_406 = arith.addf %select_n3A_402, %gather3A_405 : vector<16xf32>
          %exp3A = math.exp %add3A_406 : vector<16xf32>
          %add3A_407 = arith.constant 32 : i32
          %add3A_408 = arith.addi %add3A_407, %scan3A_179 : i32
          %broadcast_in_dim3A_409 = vector.broadcast %add3A_408 : i32 to vector<16xi32>
          %and3A_410 = arith.constant 15 : i32
          %and3A_411 = vector.broadcast %and3A_410 : i32 to vector<16xi32>
          %and3A_412 = arith.andi %gather3A_219, %and3A_411 : vector<16xi32>
          %mul3A_413 = arith.constant 8 : i32
          %mul3A_414 = vector.broadcast %mul3A_413 : i32 to vector<16xi32>
          %mul3A_415 = arith.muli %and3A_412, %mul3A_414 : vector<16xi32>
          %add3A_416 = arith.addi %mul3A_415, %iota3A : vector<16xi32>
          tpu.vector_store_idx %arg24[%broadcast_in_dim3A_409, %add3A_416], %exp3A masked %lt3A_34 {add = true} : memref<64x128xf32, #tpu.memory_space<vmem>>[vector<16xi32>, vector<16xi32>], vector<16xf32>, vector<16xi1>
          %broadcast_in_dim3A_417 = vector.shape_cast %broadcast_in_dim3A_35 : vector<16xi32> to vector<16x1xi32>
          %gather3A_418 = vector.shape_cast %broadcast_in_dim3A_417 : vector<16x1xi32> to vector<16xi32>
          %gather3A_419 = tpu.dynamic_gather %exp3A[%gather3A_418] in [0] : vector<16xf32>, vector<16xi32> -> vector<16xf32>
          %mul3A_420 = arith.mulf %gather3A_419, %add3A_234 : vector<16xf32>
          %swap3A_421 = arith.index_cast %scan3A_179 : i32 to index
          %swap3A_422 = arith.constant 0 : index
          %swap3A_423 = tpu.vector_load %arg24[%swap3A_421, %swap3A_422] {strides = array<i32>} : memref<64x128xf32, #tpu.memory_space<vmem>>, vector<16xf32>,
          tpu.vector_store %arg24[%swap3A_421, %swap3A_422], %mul3A_420 {strides = array<i32>} : memref<64x128xf32, #tpu.memory_space<vmem>>, vector<16xf32>,
          %broadcast_in_dim3A_424 = vector.shape_cast %broadcast_in_dim3A_37 : vector<16xi32> to vector<16x1xi32>
          %gather3A_425 = vector.shape_cast %broadcast_in_dim3A_424 : vector<16x1xi32> to vector<16xi32>
          %gather3A_426 = tpu.dynamic_gather %exp3A[%gather3A_425] in [0] : vector<16xf32>, vector<16xi32> -> vector<16xf32>
          %mul3A_427 = arith.mulf %gather3A_426, %add3A_249 : vector<16xf32>
          %swap3A_428 = arith.index_cast %scan3A_179 : i32 to index
          %swap3A_429 = arith.constant 16 : index
          %swap3A_430 = tpu.vector_load %arg24[%swap3A_428, %swap3A_429] {strides = array<i32>} : memref<64x128xf32, #tpu.memory_space<vmem>>, vector<16xf32>,
          tpu.vector_store %arg24[%swap3A_428, %swap3A_429], %mul3A_427 {strides = array<i32>} : memref<64x128xf32, #tpu.memory_space<vmem>>, vector<16xf32>,
          %broadcast_in_dim3A_431 = vector.shape_cast %broadcast_in_dim3A_39 : vector<16xi32> to vector<16x1xi32>
          %gather3A_432 = vector.shape_cast %broadcast_in_dim3A_431 : vector<16x1xi32> to vector<16xi32>
          %gather3A_433 = tpu.dynamic_gather %exp3A[%gather3A_432] in [0] : vector<16xf32>, vector<16xi32> -> vector<16xf32>
          %mul3A_434 = arith.mulf %gather3A_433, %add3A_264 : vector<16xf32>
          %swap3A_435 = arith.index_cast %scan3A_179 : i32 to index
          %swap3A_436 = arith.constant 32 : index
          %swap3A_437 = tpu.vector_load %arg24[%swap3A_435, %swap3A_436] {strides = array<i32>} : memref<64x128xf32, #tpu.memory_space<vmem>>, vector<16xf32>,
          tpu.vector_store %arg24[%swap3A_435, %swap3A_436], %mul3A_434 {strides = array<i32>} : memref<64x128xf32, #tpu.memory_space<vmem>>, vector<16xf32>,
          %broadcast_in_dim3A_438 = vector.shape_cast %broadcast_in_dim3A_41 : vector<16xi32> to vector<16x1xi32>
          %gather3A_439 = vector.shape_cast %broadcast_in_dim3A_438 : vector<16x1xi32> to vector<16xi32>
          %gather3A_440 = tpu.dynamic_gather %exp3A[%gather3A_439] in [0] : vector<16xf32>, vector<16xi32> -> vector<16xf32>
          %mul3A_441 = arith.mulf %gather3A_440, %add3A_279 : vector<16xf32>
          %swap3A_442 = arith.index_cast %scan3A_179 : i32 to index
          %swap3A_443 = arith.constant 48 : index
          %swap3A_444 = tpu.vector_load %arg24[%swap3A_442, %swap3A_443] {strides = array<i32>} : memref<64x128xf32, #tpu.memory_space<vmem>>, vector<16xf32>,
          tpu.vector_store %arg24[%swap3A_442, %swap3A_443], %mul3A_441 {strides = array<i32>} : memref<64x128xf32, #tpu.memory_space<vmem>>, vector<16xf32>,
          %broadcast_in_dim3A_445 = vector.shape_cast %broadcast_in_dim3A_43 : vector<16xi32> to vector<16x1xi32>
          %gather3A_446 = vector.shape_cast %broadcast_in_dim3A_445 : vector<16x1xi32> to vector<16xi32>
          %gather3A_447 = tpu.dynamic_gather %exp3A[%gather3A_446] in [0] : vector<16xf32>, vector<16xi32> -> vector<16xf32>
          %mul3A_448 = arith.mulf %gather3A_447, %add3A_294 : vector<16xf32>
          %swap3A_449 = arith.index_cast %scan3A_179 : i32 to index
          %swap3A_450 = arith.constant 64 : index
          %swap3A_451 = tpu.vector_load %arg24[%swap3A_449, %swap3A_450] {strides = array<i32>} : memref<64x128xf32, #tpu.memory_space<vmem>>, vector<16xf32>,
          tpu.vector_store %arg24[%swap3A_449, %swap3A_450], %mul3A_448 {strides = array<i32>} : memref<64x128xf32, #tpu.memory_space<vmem>>, vector<16xf32>,
          %broadcast_in_dim3A_452 = vector.shape_cast %broadcast_in_dim3A_45 : vector<16xi32> to vector<16x1xi32>
          %gather3A_453 = vector.shape_cast %broadcast_in_dim3A_452 : vector<16x1xi32> to vector<16xi32>
          %gather3A_454 = tpu.dynamic_gather %exp3A[%gather3A_453] in [0] : vector<16xf32>, vector<16xi32> -> vector<16xf32>
          %mul3A_455 = arith.mulf %gather3A_454, %add3A_309 : vector<16xf32>
          %swap3A_456 = arith.index_cast %scan3A_179 : i32 to index
          %swap3A_457 = arith.constant 80 : index
          %swap3A_458 = tpu.vector_load %arg24[%swap3A_456, %swap3A_457] {strides = array<i32>} : memref<64x128xf32, #tpu.memory_space<vmem>>, vector<16xf32>,
          tpu.vector_store %arg24[%swap3A_456, %swap3A_457], %mul3A_455 {strides = array<i32>} : memref<64x128xf32, #tpu.memory_space<vmem>>, vector<16xf32>,
          %broadcast_in_dim3A_459 = vector.shape_cast %broadcast_in_dim3A_47 : vector<16xi32> to vector<16x1xi32>
          %gather3A_460 = vector.shape_cast %broadcast_in_dim3A_459 : vector<16x1xi32> to vector<16xi32>
          %gather3A_461 = tpu.dynamic_gather %exp3A[%gather3A_460] in [0] : vector<16xf32>, vector<16xi32> -> vector<16xf32>
          %mul3A_462 = arith.mulf %gather3A_461, %add3A_324 : vector<16xf32>
          %swap3A_463 = arith.index_cast %scan3A_179 : i32 to index
          %swap3A_464 = arith.constant 96 : index
          %swap3A_465 = tpu.vector_load %arg24[%swap3A_463, %swap3A_464] {strides = array<i32>} : memref<64x128xf32, #tpu.memory_space<vmem>>, vector<16xf32>,
          tpu.vector_store %arg24[%swap3A_463, %swap3A_464], %mul3A_462 {strides = array<i32>} : memref<64x128xf32, #tpu.memory_space<vmem>>, vector<16xf32>,
          %broadcast_in_dim3A_466 = vector.shape_cast %broadcast_in_dim3A_49 : vector<16xi32> to vector<16x1xi32>
          %gather3A_467 = vector.shape_cast %broadcast_in_dim3A_466 : vector<16x1xi32> to vector<16xi32>
          %gather3A_468 = tpu.dynamic_gather %exp3A[%gather3A_467] in [0] : vector<16xf32>, vector<16xi32> -> vector<16xf32>
          %mul3A_469 = arith.mulf %gather3A_468, %add3A_339 : vector<16xf32>
          %swap3A_470 = arith.index_cast %scan3A_179 : i32 to index
          %swap3A_471 = arith.constant 112 : index
          %swap3A_472 = tpu.vector_load %arg24[%swap3A_470, %swap3A_471] {strides = array<i32>} : memref<64x128xf32, #tpu.memory_space<vmem>>, vector<16xf32>,
          tpu.vector_store %arg24[%swap3A_470, %swap3A_471], %mul3A_469 {strides = array<i32>} : memref<64x128xf32, #tpu.memory_space<vmem>>, vector<16xf32>,
        }
        %scan3A_178 = arith.constant 32 : i32
        "tpu.region"() ({
          %run_scoped3A = tpu.sem_alloc : memref<!tpu.dma_semaphore, #tpu.memory_space<semaphore_mem>>
          %dma_start3A = arith.constant 0 : i32
          %dma_start3A_179 = arith.constant 0 : i32
          %dma_start3A_180 = tpu.memref_slice %arg26[%dma_start3A, %dma_start3A_179] : memref<10880x128xf32, #tpu.memory_space<vmem_shared>> -> memref<10880x128xf32, #tpu.memory_space<vmem_shared>>
          tpu.enqueue_indirect_dma source(%arg24 : memref<64x128xf32, #tpu.memory_space<vmem>>) target(%dma_start3A_180 : memref<10880x128xf32, #tpu.memory_space<vmem_shared>>) offsets(%arg15 : memref<64xi32, #tpu.memory_space<vmem>>) semaphore(%run_scoped3A : memref<!tpu.dma_semaphore, #tpu.memory_space<semaphore_mem>>) {add = true}
          %dma_wait3A_181 = arith.constant 0 : i32
          %dma_wait3A_182 = arith.constant 0 : i32
          %dma_wait3A_183 = tpu.memref_slice %arg26[%dma_wait3A_181, %dma_wait3A_182] : memref<10880x128xf32, #tpu.memory_space<vmem_shared>> -> memref<10880x128xf32, #tpu.memory_space<vmem_shared>>
          tpu.wait_indirect_dma semaphore(%run_scoped3A : memref<!tpu.dma_semaphore, #tpu.memory_space<semaphore_mem>>) src(%arg24 : memref<64x128xf32, #tpu.memory_space<vmem>>) dst(%dma_wait3A_183 : memref<10880x128xf32, #tpu.memory_space<vmem_shared>>)
          tpu.yield
        }) : () -> ()
        "tpu.region"() ({
          %run_scoped3A = tpu.sem_alloc : memref<!tpu.dma_semaphore, #tpu.memory_space<semaphore_mem>>
          %dma_start3A = arith.constant 32 : i32
          %dma_start3A_179 = arith.constant 0 : i32
          %dma_start3A_180 = tpu.memref_slice %arg24[%dma_start3A, %dma_start3A_179] : memref<64x128xf32, #tpu.memory_space<vmem>> -> memref<32x128xf32, #tpu.memory_space<vmem>>
          %dma_start3A_181 = arith.constant 32 : i32
          %dma_start3A_182 = arith.constant 0 : i32
          %dma_start3A_183 = tpu.memref_slice %arg24[%dma_start3A_181, %dma_start3A_182] : memref<64x128xf32, #tpu.memory_space<vmem>> -> memref<32x128xf32, #tpu.memory_space<vmem>>
          tpu.enqueue_dma source(%arg25 : memref<32x128xf32, #tpu.memory_space<vmem_shared>>) target(%dma_start3A_183 : memref<32x128xf32, #tpu.memory_space<vmem>>) target_semaphore(%run_scoped3A : memref<!tpu.dma_semaphore, #tpu.memory_space<semaphore_mem>>)
          %dma_wait3A_184 = arith.constant 32 : i32
          %dma_wait3A_185 = arith.constant 0 : i32
          %dma_wait3A_186 = tpu.memref_slice %arg24[%dma_wait3A_184, %dma_wait3A_185] : memref<64x128xf32, #tpu.memory_space<vmem>> -> memref<32x128xf32, #tpu.memory_space<vmem>>
          %dma_wait3A_187 = arith.constant 32 : i32
          %dma_wait3A_188 = arith.constant 0 : i32
          %dma_wait3A_189 = tpu.memref_slice %arg24[%dma_wait3A_187, %dma_wait3A_188] : memref<64x128xf32, #tpu.memory_space<vmem>> -> memref<32x128xf32, #tpu.memory_space<vmem>>
          tpu.wait_dma2 semaphore(%run_scoped3A : memref<!tpu.dma_semaphore, #tpu.memory_space<semaphore_mem>>) src(%arg25 : memref<32x128xf32, #tpu.memory_space<vmem_shared>>) dst(%dma_wait3A_189 : memref<32x128xf32, #tpu.memory_space<vmem>>)
          tpu.yield
        }) : () -> ()
      } else {
      }
      %add3A_108 = arith.constant 2 : i32
      %add3A_109 = arith.addi %mul3A_89, %add3A_108 : i32
      %mul3A_110 = arith.constant 32 : i32
      %mul3A_111 = arith.muli %add3A_109, %mul3A_110 : i32
      %add3A_112 = arith.addi %mul3A_111, %add3A : i32
      %lt3A_113 = arith.constant 10000 : i32
      %lt3A_114 = arith.cmpi slt, %add3A_112, %lt3A_113 : i32
      %convert_element_type3A_115 = arith.extui %lt3A_114 : i1 to i32
      %cond3A_116 = arith.constant 0 : i32
      %cond3A_117 = arith.cmpi ne, %convert_element_type3A_115, %cond3A_116 : i32
      scf.if %cond3A_117 {
        %mul3A_128 = arith.constant 32 : i32
        %mul3A_129 = arith.muli %add3A_112, %mul3A_128 : i32
        %dma_wait3A = tpu.memref_slice %arg6[%mul3A_129] : memref<320000xi32, #tpu.memory_space<hbm>> -> memref<32xi32, #tpu.memory_space<hbm>>
        %dma_wait3A_130 = tpu.memref_slice %arg6[%mul3A_129] : memref<320000xi32, #tpu.memory_space<hbm>> -> memref<32xi32, #tpu.memory_space<hbm>>
        tpu.wait_dma2 semaphore(%arg29 : memref<!tpu.dma_semaphore, #tpu.memory_space<semaphore_mem>>) src(%dma_wait3A_130 : memref<32xi32, #tpu.memory_space<hbm>>) dst(%arg11 : memref<32xi32, #tpu.memory_space<vmem>>)
        %dma_wait3A_131 = tpu.memref_slice %arg7[%mul3A_129] : memref<320000xi32, #tpu.memory_space<hbm>> -> memref<32xi32, #tpu.memory_space<hbm>>
        %dma_wait3A_132 = tpu.memref_slice %arg7[%mul3A_129] : memref<320000xi32, #tpu.memory_space<hbm>> -> memref<32xi32, #tpu.memory_space<hbm>>
        tpu.wait_dma2 semaphore(%arg29 : memref<!tpu.dma_semaphore, #tpu.memory_space<semaphore_mem>>) src(%dma_wait3A_132 : memref<32xi32, #tpu.memory_space<hbm>>) dst(%arg12 : memref<32xi32, #tpu.memory_space<vmem>>)
        %dma_start3A = arith.constant 0 : i32
        %dma_start3A_133 = arith.constant 0 : i32
        %dma_start3A_134 = tpu.memref_slice %arg2[%dma_start3A, %dma_start3A_133] : memref<10000x128xf32, #tpu.memory_space<hbm>> -> memref<10000x128xf32, #tpu.memory_space<hbm>>
        tpu.enqueue_indirect_dma source(%dma_start3A_134 : memref<10000x128xf32, #tpu.memory_space<hbm>>) target(%arg16 : memref<32x128xf32, #tpu.memory_space<vmem>>) offsets(%arg12 : memref<32xi32, #tpu.memory_space<vmem>>) semaphore(%arg27 : memref<!tpu.dma_semaphore, #tpu.memory_space<semaphore_mem>>)
        %dma_start3A_135 = arith.constant 0 : i32
        %dma_start3A_136 = arith.constant 0 : i32
        %dma_start3A_137 = tpu.memref_slice %arg3[%dma_start3A_135, %dma_start3A_136] : memref<10000x128xf32, #tpu.memory_space<hbm>> -> memref<10000x128xf32, #tpu.memory_space<hbm>>
        tpu.enqueue_indirect_dma source(%dma_start3A_137 : memref<10000x128xf32, #tpu.memory_space<hbm>>) target(%arg17 : memref<32x128xf32, #tpu.memory_space<vmem>>) offsets(%arg11 : memref<32xi32, #tpu.memory_space<vmem>>) semaphore(%arg27 : memref<!tpu.dma_semaphore, #tpu.memory_space<semaphore_mem>>)
        %dma_start3A_138 = arith.constant 0 : i32
        %dma_start3A_139 = arith.constant 0 : i32
        %dma_start3A_140 = tpu.memref_slice %arg4[%dma_start3A_138, %dma_start3A_139] : memref<10000x128xf32, #tpu.memory_space<hbm>> -> memref<10000x128xf32, #tpu.memory_space<hbm>>
        tpu.enqueue_indirect_dma source(%dma_start3A_140 : memref<10000x128xf32, #tpu.memory_space<hbm>>) target(%arg18 : memref<32x128xf32, #tpu.memory_space<vmem>>) offsets(%arg11 : memref<32xi32, #tpu.memory_space<vmem>>) semaphore(%arg27 : memref<!tpu.dma_semaphore, #tpu.memory_space<semaphore_mem>>)
        %dma_start3A_141 = arith.constant 0 : i32
        %dma_start3A_142 = tpu.memref_slice %arg5[%mul3A_129, %dma_start3A_141] : memref<320000x128xf32, #tpu.memory_space<hbm>> -> memref<32x128xf32, #tpu.memory_space<hbm>>
        %dma_start3A_143 = arith.constant 0 : i32
        %dma_start3A_144 = tpu.memref_slice %arg5[%mul3A_129, %dma_start3A_143] : memref<320000x128xf32, #tpu.memory_space<hbm>> -> memref<32x128xf32, #tpu.memory_space<hbm>>
        tpu.enqueue_dma source(%dma_start3A_144 : memref<32x128xf32, #tpu.memory_space<hbm>>) target(%arg19 : memref<32x128xf32, #tpu.memory_space<vmem>>) target_semaphore(%arg27 : memref<!tpu.dma_semaphore, #tpu.memory_space<semaphore_mem>>)
      } else {
      }
      %add3A_118 = arith.constant 1 : i32
      %add3A_119 = arith.addi %mul3A_89, %add3A_118 : i32
      %mul3A_120 = arith.constant 32 : i32
      %mul3A_121 = arith.muli %add3A_119, %mul3A_120 : i32
      %add3A_122 = arith.addi %mul3A_121, %add3A : i32
      %lt3A_123 = arith.constant 10000 : i32
      %lt3A_124 = arith.cmpi slt, %add3A_122, %lt3A_123 : i32
      %convert_element_type3A_125 = arith.extui %lt3A_124 : i1 to i32
      %cond3A_126 = arith.constant 0 : i32
      %cond3A_127 = arith.cmpi ne, %convert_element_type3A_125, %cond3A_126 : i32
      scf.if %cond3A_127 {
        %dma_wait3A = arith.constant 0 : i32
        %dma_wait3A_128 = arith.constant 0 : i32
        %dma_wait3A_129 = tpu.memref_slice %arg2[%dma_wait3A, %dma_wait3A_128] : memref<10000x128xf32, #tpu.memory_space<hbm>> -> memref<10000x128xf32, #tpu.memory_space<hbm>>
        tpu.wait_indirect_dma semaphore(%arg28 : memref<!tpu.dma_semaphore, #tpu.memory_space<semaphore_mem>>) src(%dma_wait3A_129 : memref<10000x128xf32, #tpu.memory_space<hbm>>) dst(%arg20 : memref<32x128xf32, #tpu.memory_space<vmem>>)
        %dma_wait3A_130 = arith.constant 0 : i32
        %dma_wait3A_131 = arith.constant 0 : i32
        %dma_wait3A_132 = tpu.memref_slice %arg3[%dma_wait3A_130, %dma_wait3A_131] : memref<10000x128xf32, #tpu.memory_space<hbm>> -> memref<10000x128xf32, #tpu.memory_space<hbm>>
        tpu.wait_indirect_dma semaphore(%arg28 : memref<!tpu.dma_semaphore, #tpu.memory_space<semaphore_mem>>) src(%dma_wait3A_132 : memref<10000x128xf32, #tpu.memory_space<hbm>>) dst(%arg21 : memref<32x128xf32, #tpu.memory_space<vmem>>)
        %dma_wait3A_133 = arith.constant 0 : i32
        %dma_wait3A_134 = arith.constant 0 : i32
        %dma_wait3A_135 = tpu.memref_slice %arg4[%dma_wait3A_133, %dma_wait3A_134] : memref<10000x128xf32, #tpu.memory_space<hbm>> -> memref<10000x128xf32, #tpu.memory_space<hbm>>
        tpu.wait_indirect_dma semaphore(%arg28 : memref<!tpu.dma_semaphore, #tpu.memory_space<semaphore_mem>>) src(%dma_wait3A_135 : memref<10000x128xf32, #tpu.memory_space<hbm>>) dst(%arg22 : memref<32x128xf32, #tpu.memory_space<vmem>>)
        %dma_wait3A_136 = arith.constant 0 : i32
        %dma_wait3A_137 = arith.constant 0 : i32
        %dma_wait3A_138 = tpu.memref_slice %arg5[%dma_wait3A_136, %dma_wait3A_137] : memref<320000x128xf32, #tpu.memory_space<hbm>> -> memref<32x128xf32, #tpu.memory_space<hbm>>
        %dma_wait3A_139 = arith.constant 0 : i32
        %dma_wait3A_140 = arith.constant 0 : i32
        %dma_wait3A_141 = tpu.memref_slice %arg5[%dma_wait3A_139, %dma_wait3A_140] : memref<320000x128xf32, #tpu.memory_space<hbm>> -> memref<32x128xf32, #tpu.memory_space<hbm>>
        tpu.wait_dma2 semaphore(%arg28 : memref<!tpu.dma_semaphore, #tpu.memory_space<semaphore_mem>>) src(%dma_wait3A_141 : memref<32x128xf32, #tpu.memory_space<hbm>>) dst(%arg23 : memref<32x128xf32, #tpu.memory_space<vmem>>)
        %get3A = arith.constant 0 : index
        %get3A_142 = tpu.vector_load %arg14[%get3A] {strides = array<i32>} : memref<32xi32, #tpu.memory_space<vmem>>, vector<16xi32>,
        %swap3A = arith.constant 0 : index
        %swap3A_143 = tpu.vector_load %arg15[%swap3A] {strides = array<i32>} : memref<64xi32, #tpu.memory_space<vmem>>, vector<16xi32>,
        tpu.vector_store %arg15[%swap3A], %get3A_142 {strides = array<i32>} : memref<64xi32, #tpu.memory_space<vmem>>, vector<16xi32>,
        %shift_right_logical3A = arith.constant 4 : i32
        %shift_right_logical3A_144 = vector.broadcast %shift_right_logical3A : i32 to vector<16xi32>
        %shift_right_logical3A_145 = arith.shrui %get3A_142, %shift_right_logical3A_144 : vector<16xi32>
        %add3A_146 = arith.constant 10240 : i32
        %add3A_147 = vector.broadcast %add3A_146 : i32 to vector<16xi32>
        %add3A_148 = arith.addi %shift_right_logical3A_145, %add3A_147 : vector<16xi32>
        %swap3A_149 = arith.constant 32 : index
        %swap3A_150 = tpu.vector_load %arg15[%swap3A_149] {strides = array<i32>} : memref<64xi32, #tpu.memory_space<vmem>>, vector<16xi32>,
        tpu.vector_store %arg15[%swap3A_149], %add3A_148 {strides = array<i32>} : memref<64xi32, #tpu.memory_space<vmem>>, vector<16xi32>,
        %get3A_151 = arith.constant 16 : index
        %get3A_152 = tpu.vector_load %arg14[%get3A_151] {strides = array<i32>} : memref<32xi32, #tpu.memory_space<vmem>>, vector<16xi32>,
        %swap3A_153 = arith.constant 16 : index
        %swap3A_154 = tpu.vector_load %arg15[%swap3A_153] {strides = array<i32>} : memref<64xi32, #tpu.memory_space<vmem>>, vector<16xi32>,
        tpu.vector_store %arg15[%swap3A_153], %get3A_152 {strides = array<i32>} : memref<64xi32, #tpu.memory_space<vmem>>, vector<16xi32>,
        %shift_right_logical3A_155 = arith.constant 4 : i32
        %shift_right_logical3A_156 = vector.broadcast %shift_right_logical3A_155 : i32 to vector<16xi32>
        %shift_right_logical3A_157 = arith.shrui %get3A_152, %shift_right_logical3A_156 : vector<16xi32>
        %add3A_158 = arith.constant 10240 : i32
        %add3A_159 = vector.broadcast %add3A_158 : i32 to vector<16xi32>
        %add3A_160 = arith.addi %shift_right_logical3A_157, %add3A_159 : vector<16xi32>
        %swap3A_161 = arith.constant 48 : index
        %swap3A_162 = tpu.vector_load %arg15[%swap3A_161] {strides = array<i32>} : memref<64xi32, #tpu.memory_space<vmem>>, vector<16xi32>,
        tpu.vector_store %arg15[%swap3A_161], %add3A_160 {strides = array<i32>} : memref<64xi32, #tpu.memory_space<vmem>>, vector<16xi32>,
        %add3A_163 = arith.constant 2 : i32
        %add3A_164 = arith.addi %add3A_119, %add3A_163 : i32
        %mul3A_165 = arith.constant 32 : i32
        %mul3A_166 = arith.muli %add3A_164, %mul3A_165 : i32
        %add3A_167 = arith.addi %mul3A_166, %add3A : i32
        %lt3A_168 = arith.constant 10000 : i32
        %lt3A_169 = arith.cmpi slt, %add3A_167, %lt3A_168 : i32
        %convert_element_type3A_170 = arith.extui %lt3A_169 : i1 to i32
        %cond3A_171 = arith.constant 0 : i32
        %cond3A_172 = arith.cmpi ne, %convert_element_type3A_170, %cond3A_171 : i32
        scf.if %cond3A_172 {
          %mul3A_179 = arith.constant 32 : i32
          %mul3A_180 = arith.muli %add3A_167, %mul3A_179 : i32
          %dma_start3A = tpu.memref_slice %arg6[%mul3A_180] : memref<320000xi32, #tpu.memory_space<hbm>> -> memref<32xi32, #tpu.memory_space<hbm>>
          %dma_start3A_181 = tpu.memref_slice %arg6[%mul3A_180] : memref<320000xi32, #tpu.memory_space<hbm>> -> memref<32xi32, #tpu.memory_space<hbm>>
          tpu.enqueue_dma source(%dma_start3A_181 : memref<32xi32, #tpu.memory_space<hbm>>) target(%arg13 : memref<32xi32, #tpu.memory_space<vmem>>) target_semaphore(%arg30 : memref<!tpu.dma_semaphore, #tpu.memory_space<semaphore_mem>>)
          %dma_start3A_182 = tpu.memref_slice %arg7[%mul3A_180] : memref<320000xi32, #tpu.memory_space<hbm>> -> memref<32xi32, #tpu.memory_space<hbm>>
          %dma_start3A_183 = tpu.memref_slice %arg7[%mul3A_180] : memref<320000xi32, #tpu.memory_space<hbm>> -> memref<32xi32, #tpu.memory_space<hbm>>
          tpu.enqueue_dma source(%dma_start3A_183 : memref<32xi32, #tpu.memory_space<hbm>>) target(%arg14 : memref<32xi32, #tpu.memory_space<vmem>>) target_semaphore(%arg30 : memref<!tpu.dma_semaphore, #tpu.memory_space<semaphore_mem>>)
        } else {
        }
        %scan3A_173 = arith.constant 0 : i32
        %scan3A_174 = arith.constant 0 : i32
        %scan3A_175 = arith.constant 32 : i32
        %scan3A_176 = arith.addi %scan3A_174, %scan3A_175 : i32
        %scan3A_177 = arith.constant 1 : i32
        scf.for %scan3A_179 = %scan3A_174 to %scan3A_176 step %scan3A_177  : i32 {
          %jit3A = arith.constant 16 : i32
          %div3A = arith.divsi %scan3A_179, %jit3A : i32
          %sign3A = arith.constant 0 : i32
          %sign3A_180 = arith.cmpi sgt, %scan3A_179, %sign3A : i32
          %sign3A_181 = arith.extui %sign3A_180 : i1 to i32
          %sign3A_182 = arith.constant 0 : i32
          %sign3A_183 = arith.cmpi slt, %scan3A_179, %sign3A_182 : i32
          %sign3A_184 = arith.extui %sign3A_183 : i1 to i32
          %sign3A_185 = arith.subi %sign3A_181, %sign3A_184 : i32
          %sign3A_186 = arith.constant 0 : i32
          %sign3A_187 = arith.cmpi sgt, %jit3A, %sign3A_186 : i32
          %sign3A_188 = arith.extui %sign3A_187 : i1 to i32
          %sign3A_189 = arith.constant 0 : i32
          %sign3A_190 = arith.cmpi slt, %jit3A, %sign3A_189 : i32
          %sign3A_191 = arith.extui %sign3A_190 : i1 to i32
          %sign3A_192 = arith.subi %sign3A_188, %sign3A_191 : i32
          %ne3A = arith.cmpi ne, %sign3A_185, %sign3A_192 : i32
          %rem3A = arith.remsi %scan3A_179, %jit3A : i32
          %ne3A_193 = arith.constant 0 : i32
          %ne3A_194 = arith.cmpi ne, %rem3A, %ne3A_193 : i32
          %and3A_195 = arith.andi %ne3A, %ne3A_194 : i1
          %sub3A = arith.constant 1 : i32
          %sub3A_196 = arith.subi %div3A, %sub3A : i32
          %select_n3A = arith.select %and3A_195, %sub3A_196, %div3A : i32
          %mul3A_197 = arith.constant 16 : i32
          %mul3A_198 = arith.muli %select_n3A, %mul3A_197 : i32
          %get3A_199 = arith.index_cast %mul3A_198 : i32 to index
          %get3A_200 = tpu.vector_load %arg15[%get3A_199] {strides = array<i32>} : memref<64xi32, #tpu.memory_space<vmem>>, vector<16xi32>,
          %jit3A_201 = arith.constant 16 : i32
          %eq3A_202 = arith.constant 0 : i32
          %eq3A_203 = arith.cmpi eq, %jit3A_201, %eq3A_202 : i32
          %jit3A_204 = arith.constant 1 : i32
          %select_n3A_205 = arith.select %eq3A_203, %jit3A_204, %jit3A_201 : i32
          %rem3A_206 = arith.remsi %scan3A_179, %select_n3A_205 : i32
          %ne3A_207 = arith.constant 0 : i32
          %ne3A_208 = arith.cmpi ne, %rem3A_206, %ne3A_207 : i32
          %lt3A_209 = arith.constant 0 : i32
          %lt3A_210 = arith.cmpi slt, %rem3A_206, %lt3A_209 : i32
          %lt3A_211 = arith.constant 0 : i32
          %lt3A_212 = arith.cmpi slt, %select_n3A_205, %lt3A_211 : i32
          %ne3A_213 = arith.xori %lt3A_210, %lt3A_212 : i1
          %and3A_214 = arith.andi %ne3A_213, %ne3A_208 : i1
          %add3A_215 = arith.addi %rem3A_206, %select_n3A_205 : i32
          %select_n3A_216 = arith.select %and3A_214, %add3A_215, %rem3A_206 : i32
          %broadcast_in_dim3A_217 = vector.broadcast %select_n3A_216 : i32 to vector<16xi32>
          %broadcast_in_dim3A_218 = vector.shape_cast %broadcast_in_dim3A_217 : vector<16xi32> to vector<16x1xi32>
          %gather3A = vector.shape_cast %broadcast_in_dim3A_218 : vector<16x1xi32> to vector<16xi32>
          %gather3A_219 = tpu.dynamic_gather %get3A_200[%gather3A] in [0] : vector<16xi32>, vector<16xi32> -> vector<16xi32>
          %get3A_220 = arith.index_cast %scan3A_179 : i32 to index
          %get3A_221 = arith.constant 0 : index
          %get3A_222 = tpu.vector_load %arg23[%get3A_220, %get3A_221] {strides = array<i32>} : memref<32x128xf32, #tpu.memory_space<vmem>>, vector<16xf32>,
          %get3A_223 = arith.index_cast %scan3A_179 : i32 to index
          %get3A_224 = arith.constant 0 : index
          %get3A_225 = tpu.vector_load %arg20[%get3A_223, %get3A_224] {strides = array<i32>} : memref<32x128xf32, #tpu.memory_space<vmem>>, vector<16xf32>,
          %get3A_226 = arith.index_cast %scan3A_179 : i32 to index
          %get3A_227 = arith.constant 0 : index
          %get3A_228 = tpu.vector_load %arg21[%get3A_226, %get3A_227] {strides = array<i32>} : memref<32x128xf32, #tpu.memory_space<vmem>>, vector<16xf32>,
          %add3A_229 = arith.addf %get3A_228, %get3A_222 : vector<16xf32>
          %mul3A_230 = arith.mulf %get3A_225, %add3A_229 : vector<16xf32>
          %get3A_231 = arith.index_cast %scan3A_179 : i32 to index
          %get3A_232 = arith.constant 0 : index
          %get3A_233 = tpu.vector_load %arg22[%get3A_231, %get3A_232] {strides = array<i32>} : memref<32x128xf32, #tpu.memory_space<vmem>>, vector<16xf32>,
          %add3A_234 = arith.addf %get3A_233, %get3A_222 : vector<16xf32>
          %get3A_235 = arith.index_cast %scan3A_179 : i32 to index
          %get3A_236 = arith.constant 16 : index
          %get3A_237 = tpu.vector_load %arg23[%get3A_235, %get3A_236] {strides = array<i32>} : memref<32x128xf32, #tpu.memory_space<vmem>>, vector<16xf32>,
          %get3A_238 = arith.index_cast %scan3A_179 : i32 to index
          %get3A_239 = arith.constant 16 : index
          %get3A_240 = tpu.vector_load %arg20[%get3A_238, %get3A_239] {strides = array<i32>} : memref<32x128xf32, #tpu.memory_space<vmem>>, vector<16xf32>,
          %get3A_241 = arith.index_cast %scan3A_179 : i32 to index
          %get3A_242 = arith.constant 16 : index
          %get3A_243 = tpu.vector_load %arg21[%get3A_241, %get3A_242] {strides = array<i32>} : memref<32x128xf32, #tpu.memory_space<vmem>>, vector<16xf32>,
          %add3A_244 = arith.addf %get3A_243, %get3A_237 : vector<16xf32>
          %mul3A_245 = arith.mulf %get3A_240, %add3A_244 : vector<16xf32>
          %get3A_246 = arith.index_cast %scan3A_179 : i32 to index
          %get3A_247 = arith.constant 16 : index
          %get3A_248 = tpu.vector_load %arg22[%get3A_246, %get3A_247] {strides = array<i32>} : memref<32x128xf32, #tpu.memory_space<vmem>>, vector<16xf32>,
          %add3A_249 = arith.addf %get3A_248, %get3A_237 : vector<16xf32>
          %get3A_250 = arith.index_cast %scan3A_179 : i32 to index
          %get3A_251 = arith.constant 32 : index
          %get3A_252 = tpu.vector_load %arg23[%get3A_250, %get3A_251] {strides = array<i32>} : memref<32x128xf32, #tpu.memory_space<vmem>>, vector<16xf32>,
          %get3A_253 = arith.index_cast %scan3A_179 : i32 to index
          %get3A_254 = arith.constant 32 : index
          %get3A_255 = tpu.vector_load %arg20[%get3A_253, %get3A_254] {strides = array<i32>} : memref<32x128xf32, #tpu.memory_space<vmem>>, vector<16xf32>,
          %get3A_256 = arith.index_cast %scan3A_179 : i32 to index
          %get3A_257 = arith.constant 32 : index
          %get3A_258 = tpu.vector_load %arg21[%get3A_256, %get3A_257] {strides = array<i32>} : memref<32x128xf32, #tpu.memory_space<vmem>>, vector<16xf32>,
          %add3A_259 = arith.addf %get3A_258, %get3A_252 : vector<16xf32>
          %mul3A_260 = arith.mulf %get3A_255, %add3A_259 : vector<16xf32>
          %get3A_261 = arith.index_cast %scan3A_179 : i32 to index
          %get3A_262 = arith.constant 32 : index
          %get3A_263 = tpu.vector_load %arg22[%get3A_261, %get3A_262] {strides = array<i32>} : memref<32x128xf32, #tpu.memory_space<vmem>>, vector<16xf32>,
          %add3A_264 = arith.addf %get3A_263, %get3A_252 : vector<16xf32>
          %get3A_265 = arith.index_cast %scan3A_179 : i32 to index
          %get3A_266 = arith.constant 48 : index
          %get3A_267 = tpu.vector_load %arg23[%get3A_265, %get3A_266] {strides = array<i32>} : memref<32x128xf32, #tpu.memory_space<vmem>>, vector<16xf32>,
          %get3A_268 = arith.index_cast %scan3A_179 : i32 to index
          %get3A_269 = arith.constant 48 : index
          %get3A_270 = tpu.vector_load %arg20[%get3A_268, %get3A_269] {strides = array<i32>} : memref<32x128xf32, #tpu.memory_space<vmem>>, vector<16xf32>,
          %get3A_271 = arith.index_cast %scan3A_179 : i32 to index
          %get3A_272 = arith.constant 48 : index
          %get3A_273 = tpu.vector_load %arg21[%get3A_271, %get3A_272] {strides = array<i32>} : memref<32x128xf32, #tpu.memory_space<vmem>>, vector<16xf32>,
          %add3A_274 = arith.addf %get3A_273, %get3A_267 : vector<16xf32>
          %mul3A_275 = arith.mulf %get3A_270, %add3A_274 : vector<16xf32>
          %get3A_276 = arith.index_cast %scan3A_179 : i32 to index
          %get3A_277 = arith.constant 48 : index
          %get3A_278 = tpu.vector_load %arg22[%get3A_276, %get3A_277] {strides = array<i32>} : memref<32x128xf32, #tpu.memory_space<vmem>>, vector<16xf32>,
          %add3A_279 = arith.addf %get3A_278, %get3A_267 : vector<16xf32>
          %get3A_280 = arith.index_cast %scan3A_179 : i32 to index
          %get3A_281 = arith.constant 64 : index
          %get3A_282 = tpu.vector_load %arg23[%get3A_280, %get3A_281] {strides = array<i32>} : memref<32x128xf32, #tpu.memory_space<vmem>>, vector<16xf32>,
          %get3A_283 = arith.index_cast %scan3A_179 : i32 to index
          %get3A_284 = arith.constant 64 : index
          %get3A_285 = tpu.vector_load %arg20[%get3A_283, %get3A_284] {strides = array<i32>} : memref<32x128xf32, #tpu.memory_space<vmem>>, vector<16xf32>,
          %get3A_286 = arith.index_cast %scan3A_179 : i32 to index
          %get3A_287 = arith.constant 64 : index
          %get3A_288 = tpu.vector_load %arg21[%get3A_286, %get3A_287] {strides = array<i32>} : memref<32x128xf32, #tpu.memory_space<vmem>>, vector<16xf32>,
          %add3A_289 = arith.addf %get3A_288, %get3A_282 : vector<16xf32>
          %mul3A_290 = arith.mulf %get3A_285, %add3A_289 : vector<16xf32>
          %get3A_291 = arith.index_cast %scan3A_179 : i32 to index
          %get3A_292 = arith.constant 64 : index
          %get3A_293 = tpu.vector_load %arg22[%get3A_291, %get3A_292] {strides = array<i32>} : memref<32x128xf32, #tpu.memory_space<vmem>>, vector<16xf32>,
          %add3A_294 = arith.addf %get3A_293, %get3A_282 : vector<16xf32>
          %get3A_295 = arith.index_cast %scan3A_179 : i32 to index
          %get3A_296 = arith.constant 80 : index
          %get3A_297 = tpu.vector_load %arg23[%get3A_295, %get3A_296] {strides = array<i32>} : memref<32x128xf32, #tpu.memory_space<vmem>>, vector<16xf32>,
          %get3A_298 = arith.index_cast %scan3A_179 : i32 to index
          %get3A_299 = arith.constant 80 : index
          %get3A_300 = tpu.vector_load %arg20[%get3A_298, %get3A_299] {strides = array<i32>} : memref<32x128xf32, #tpu.memory_space<vmem>>, vector<16xf32>,
          %get3A_301 = arith.index_cast %scan3A_179 : i32 to index
          %get3A_302 = arith.constant 80 : index
          %get3A_303 = tpu.vector_load %arg21[%get3A_301, %get3A_302] {strides = array<i32>} : memref<32x128xf32, #tpu.memory_space<vmem>>, vector<16xf32>,
          %add3A_304 = arith.addf %get3A_303, %get3A_297 : vector<16xf32>
          %mul3A_305 = arith.mulf %get3A_300, %add3A_304 : vector<16xf32>
          %get3A_306 = arith.index_cast %scan3A_179 : i32 to index
          %get3A_307 = arith.constant 80 : index
          %get3A_308 = tpu.vector_load %arg22[%get3A_306, %get3A_307] {strides = array<i32>} : memref<32x128xf32, #tpu.memory_space<vmem>>, vector<16xf32>,
          %add3A_309 = arith.addf %get3A_308, %get3A_297 : vector<16xf32>
          %get3A_310 = arith.index_cast %scan3A_179 : i32 to index
          %get3A_311 = arith.constant 96 : index
          %get3A_312 = tpu.vector_load %arg23[%get3A_310, %get3A_311] {strides = array<i32>} : memref<32x128xf32, #tpu.memory_space<vmem>>, vector<16xf32>,
          %get3A_313 = arith.index_cast %scan3A_179 : i32 to index
          %get3A_314 = arith.constant 96 : index
          %get3A_315 = tpu.vector_load %arg20[%get3A_313, %get3A_314] {strides = array<i32>} : memref<32x128xf32, #tpu.memory_space<vmem>>, vector<16xf32>,
          %get3A_316 = arith.index_cast %scan3A_179 : i32 to index
          %get3A_317 = arith.constant 96 : index
          %get3A_318 = tpu.vector_load %arg21[%get3A_316, %get3A_317] {strides = array<i32>} : memref<32x128xf32, #tpu.memory_space<vmem>>, vector<16xf32>,
          %add3A_319 = arith.addf %get3A_318, %get3A_312 : vector<16xf32>
          %mul3A_320 = arith.mulf %get3A_315, %add3A_319 : vector<16xf32>
          %get3A_321 = arith.index_cast %scan3A_179 : i32 to index
          %get3A_322 = arith.constant 96 : index
          %get3A_323 = tpu.vector_load %arg22[%get3A_321, %get3A_322] {strides = array<i32>} : memref<32x128xf32, #tpu.memory_space<vmem>>, vector<16xf32>,
          %add3A_324 = arith.addf %get3A_323, %get3A_312 : vector<16xf32>
          %get3A_325 = arith.index_cast %scan3A_179 : i32 to index
          %get3A_326 = arith.constant 112 : index
          %get3A_327 = tpu.vector_load %arg23[%get3A_325, %get3A_326] {strides = array<i32>} : memref<32x128xf32, #tpu.memory_space<vmem>>, vector<16xf32>,
          %get3A_328 = arith.index_cast %scan3A_179 : i32 to index
          %get3A_329 = arith.constant 112 : index
          %get3A_330 = tpu.vector_load %arg20[%get3A_328, %get3A_329] {strides = array<i32>} : memref<32x128xf32, #tpu.memory_space<vmem>>, vector<16xf32>,
          %get3A_331 = arith.index_cast %scan3A_179 : i32 to index
          %get3A_332 = arith.constant 112 : index
          %get3A_333 = tpu.vector_load %arg21[%get3A_331, %get3A_332] {strides = array<i32>} : memref<32x128xf32, #tpu.memory_space<vmem>>, vector<16xf32>,
          %add3A_334 = arith.addf %get3A_333, %get3A_327 : vector<16xf32>
          %mul3A_335 = arith.mulf %get3A_330, %add3A_334 : vector<16xf32>
          %get3A_336 = arith.index_cast %scan3A_179 : i32 to index
          %get3A_337 = arith.constant 112 : index
          %get3A_338 = tpu.vector_load %arg22[%get3A_336, %get3A_337] {strides = array<i32>} : memref<32x128xf32, #tpu.memory_space<vmem>>, vector<16xf32>,
          %add3A_339 = arith.addf %get3A_338, %get3A_327 : vector<16xf32>
          %broadcast_in_dim3A_340 = vector.shape_cast %xor3A_6 : vector<16xi32> to vector<16x1xi32>
          %gather3A_341 = vector.shape_cast %broadcast_in_dim3A_340 : vector<16x1xi32> to vector<16xi32>
          %gather3A_342 = tpu.dynamic_gather %mul3A_230[%gather3A_341] in [0] : vector<16xf32>, vector<16xi32> -> vector<16xf32>
          %add3A_343 = arith.addf %mul3A_230, %gather3A_342 : vector<16xf32>
          %broadcast_in_dim3A_344 = vector.shape_cast %xor3A_6 : vector<16xi32> to vector<16x1xi32>
          %gather3A_345 = vector.shape_cast %broadcast_in_dim3A_344 : vector<16x1xi32> to vector<16xi32>
          %gather3A_346 = tpu.dynamic_gather %mul3A_245[%gather3A_345] in [0] : vector<16xf32>, vector<16xi32> -> vector<16xf32>
          %add3A_347 = arith.addf %mul3A_245, %gather3A_346 : vector<16xf32>
          %select_n3A_348 = arith.select %eq3A_20, %add3A_343, %add3A_347 : vector<16xi1>, vector<16xf32>
          %broadcast_in_dim3A_349 = vector.shape_cast %xor3A_6 : vector<16xi32> to vector<16x1xi32>
          %gather3A_350 = vector.shape_cast %broadcast_in_dim3A_349 : vector<16x1xi32> to vector<16xi32>
          %gather3A_351 = tpu.dynamic_gather %mul3A_260[%gather3A_350] in [0] : vector<16xf32>, vector<16xi32> -> vector<16xf32>
          %add3A_352 = arith.addf %mul3A_260, %gather3A_351 : vector<16xf32>
          %broadcast_in_dim3A_353 = vector.shape_cast %xor3A_6 : vector<16xi32> to vector<16x1xi32>
          %gather3A_354 = vector.shape_cast %broadcast_in_dim3A_353 : vector<16x1xi32> to vector<16xi32>
          %gather3A_355 = tpu.dynamic_gather %mul3A_275[%gather3A_354] in [0] : vector<16xf32>, vector<16xi32> -> vector<16xf32>
          %add3A_356 = arith.addf %mul3A_275, %gather3A_355 : vector<16xf32>
          %select_n3A_357 = arith.select %eq3A_20, %add3A_352, %add3A_356 : vector<16xi1>, vector<16xf32>
          %broadcast_in_dim3A_358 = vector.shape_cast %xor3A_6 : vector<16xi32> to vector<16x1xi32>
          %gather3A_359 = vector.shape_cast %broadcast_in_dim3A_358 : vector<16x1xi32> to vector<16xi32>
          %gather3A_360 = tpu.dynamic_gather %mul3A_290[%gather3A_359] in [0] : vector<16xf32>, vector<16xi32> -> vector<16xf32>
          %add3A_361 = arith.addf %mul3A_290, %gather3A_360 : vector<16xf32>
          %broadcast_in_dim3A_362 = vector.shape_cast %xor3A_6 : vector<16xi32> to vector<16x1xi32>
          %gather3A_363 = vector.shape_cast %broadcast_in_dim3A_362 : vector<16x1xi32> to vector<16xi32>
          %gather3A_364 = tpu.dynamic_gather %mul3A_305[%gather3A_363] in [0] : vector<16xf32>, vector<16xi32> -> vector<16xf32>
          %add3A_365 = arith.addf %mul3A_305, %gather3A_364 : vector<16xf32>
          %select_n3A_366 = arith.select %eq3A_20, %add3A_361, %add3A_365 : vector<16xi1>, vector<16xf32>
          %broadcast_in_dim3A_367 = vector.shape_cast %xor3A_6 : vector<16xi32> to vector<16x1xi32>
          %gather3A_368 = vector.shape_cast %broadcast_in_dim3A_367 : vector<16x1xi32> to vector<16xi32>
          %gather3A_369 = tpu.dynamic_gather %mul3A_320[%gather3A_368] in [0] : vector<16xf32>, vector<16xi32> -> vector<16xf32>
          %add3A_370 = arith.addf %mul3A_320, %gather3A_369 : vector<16xf32>
          %broadcast_in_dim3A_371 = vector.shape_cast %xor3A_6 : vector<16xi32> to vector<16x1xi32>
          %gather3A_372 = vector.shape_cast %broadcast_in_dim3A_371 : vector<16x1xi32> to vector<16xi32>
          %gather3A_373 = tpu.dynamic_gather %mul3A_335[%gather3A_372] in [0] : vector<16xf32>, vector<16xi32> -> vector<16xf32>
          %add3A_374 = arith.addf %mul3A_335, %gather3A_373 : vector<16xf32>
          %select_n3A_375 = arith.select %eq3A_20, %add3A_370, %add3A_374 : vector<16xi1>, vector<16xf32>
          %broadcast_in_dim3A_376 = vector.shape_cast %xor3A_9 : vector<16xi32> to vector<16x1xi32>
          %gather3A_377 = vector.shape_cast %broadcast_in_dim3A_376 : vector<16x1xi32> to vector<16xi32>
          %gather3A_378 = tpu.dynamic_gather %select_n3A_348[%gather3A_377] in [0] : vector<16xf32>, vector<16xi32> -> vector<16xf32>
          %add3A_379 = arith.addf %select_n3A_348, %gather3A_378 : vector<16xf32>
          %broadcast_in_dim3A_380 = vector.shape_cast %xor3A_9 : vector<16xi32> to vector<16x1xi32>
          %gather3A_381 = vector.shape_cast %broadcast_in_dim3A_380 : vector<16x1xi32> to vector<16xi32>
          %gather3A_382 = tpu.dynamic_gather %select_n3A_357[%gather3A_381] in [0] : vector<16xf32>, vector<16xi32> -> vector<16xf32>
          %add3A_383 = arith.addf %select_n3A_357, %gather3A_382 : vector<16xf32>
          %select_n3A_384 = arith.select %eq3A_26, %add3A_379, %add3A_383 : vector<16xi1>, vector<16xf32>
          %broadcast_in_dim3A_385 = vector.shape_cast %xor3A_9 : vector<16xi32> to vector<16x1xi32>
          %gather3A_386 = vector.shape_cast %broadcast_in_dim3A_385 : vector<16x1xi32> to vector<16xi32>
          %gather3A_387 = tpu.dynamic_gather %select_n3A_366[%gather3A_386] in [0] : vector<16xf32>, vector<16xi32> -> vector<16xf32>
          %add3A_388 = arith.addf %select_n3A_366, %gather3A_387 : vector<16xf32>
          %broadcast_in_dim3A_389 = vector.shape_cast %xor3A_9 : vector<16xi32> to vector<16x1xi32>
          %gather3A_390 = vector.shape_cast %broadcast_in_dim3A_389 : vector<16x1xi32> to vector<16xi32>
          %gather3A_391 = tpu.dynamic_gather %select_n3A_375[%gather3A_390] in [0] : vector<16xf32>, vector<16xi32> -> vector<16xf32>
          %add3A_392 = arith.addf %select_n3A_375, %gather3A_391 : vector<16xf32>
          %select_n3A_393 = arith.select %eq3A_26, %add3A_388, %add3A_392 : vector<16xi1>, vector<16xf32>
          %broadcast_in_dim3A_394 = vector.shape_cast %xor3A_12 : vector<16xi32> to vector<16x1xi32>
          %gather3A_395 = vector.shape_cast %broadcast_in_dim3A_394 : vector<16x1xi32> to vector<16xi32>
          %gather3A_396 = tpu.dynamic_gather %select_n3A_384[%gather3A_395] in [0] : vector<16xf32>, vector<16xi32> -> vector<16xf32>
          %add3A_397 = arith.addf %select_n3A_384, %gather3A_396 : vector<16xf32>
          %broadcast_in_dim3A_398 = vector.shape_cast %xor3A_12 : vector<16xi32> to vector<16x1xi32>
          %gather3A_399 = vector.shape_cast %broadcast_in_dim3A_398 : vector<16x1xi32> to vector<16xi32>
          %gather3A_400 = tpu.dynamic_gather %select_n3A_393[%gather3A_399] in [0] : vector<16xf32>, vector<16xi32> -> vector<16xf32>
          %add3A_401 = arith.addf %select_n3A_393, %gather3A_400 : vector<16xf32>
          %select_n3A_402 = arith.select %eq3A_32, %add3A_397, %add3A_401 : vector<16xi1>, vector<16xf32>
          %broadcast_in_dim3A_403 = vector.shape_cast %xor3A_15 : vector<16xi32> to vector<16x1xi32>
          %gather3A_404 = vector.shape_cast %broadcast_in_dim3A_403 : vector<16x1xi32> to vector<16xi32>
          %gather3A_405 = tpu.dynamic_gather %select_n3A_402[%gather3A_404] in [0] : vector<16xf32>, vector<16xi32> -> vector<16xf32>
          %add3A_406 = arith.addf %select_n3A_402, %gather3A_405 : vector<16xf32>
          %exp3A = math.exp %add3A_406 : vector<16xf32>
          %add3A_407 = arith.constant 32 : i32
          %add3A_408 = arith.addi %add3A_407, %scan3A_179 : i32
          %broadcast_in_dim3A_409 = vector.broadcast %add3A_408 : i32 to vector<16xi32>
          %and3A_410 = arith.constant 15 : i32
          %and3A_411 = vector.broadcast %and3A_410 : i32 to vector<16xi32>
          %and3A_412 = arith.andi %gather3A_219, %and3A_411 : vector<16xi32>
          %mul3A_413 = arith.constant 8 : i32
          %mul3A_414 = vector.broadcast %mul3A_413 : i32 to vector<16xi32>
          %mul3A_415 = arith.muli %and3A_412, %mul3A_414 : vector<16xi32>
          %add3A_416 = arith.addi %mul3A_415, %iota3A : vector<16xi32>
          tpu.vector_store_idx %arg24[%broadcast_in_dim3A_409, %add3A_416], %exp3A masked %lt3A_34 {add = true} : memref<64x128xf32, #tpu.memory_space<vmem>>[vector<16xi32>, vector<16xi32>], vector<16xf32>, vector<16xi1>
          %broadcast_in_dim3A_417 = vector.shape_cast %broadcast_in_dim3A_35 : vector<16xi32> to vector<16x1xi32>
          %gather3A_418 = vector.shape_cast %broadcast_in_dim3A_417 : vector<16x1xi32> to vector<16xi32>
          %gather3A_419 = tpu.dynamic_gather %exp3A[%gather3A_418] in [0] : vector<16xf32>, vector<16xi32> -> vector<16xf32>
          %mul3A_420 = arith.mulf %gather3A_419, %add3A_234 : vector<16xf32>
          %swap3A_421 = arith.index_cast %scan3A_179 : i32 to index
          %swap3A_422 = arith.constant 0 : index
          %swap3A_423 = tpu.vector_load %arg24[%swap3A_421, %swap3A_422] {strides = array<i32>} : memref<64x128xf32, #tpu.memory_space<vmem>>, vector<16xf32>,
          tpu.vector_store %arg24[%swap3A_421, %swap3A_422], %mul3A_420 {strides = array<i32>} : memref<64x128xf32, #tpu.memory_space<vmem>>, vector<16xf32>,
          %broadcast_in_dim3A_424 = vector.shape_cast %broadcast_in_dim3A_37 : vector<16xi32> to vector<16x1xi32>
          %gather3A_425 = vector.shape_cast %broadcast_in_dim3A_424 : vector<16x1xi32> to vector<16xi32>
          %gather3A_426 = tpu.dynamic_gather %exp3A[%gather3A_425] in [0] : vector<16xf32>, vector<16xi32> -> vector<16xf32>
          %mul3A_427 = arith.mulf %gather3A_426, %add3A_249 : vector<16xf32>
          %swap3A_428 = arith.index_cast %scan3A_179 : i32 to index
          %swap3A_429 = arith.constant 16 : index
          %swap3A_430 = tpu.vector_load %arg24[%swap3A_428, %swap3A_429] {strides = array<i32>} : memref<64x128xf32, #tpu.memory_space<vmem>>, vector<16xf32>,
          tpu.vector_store %arg24[%swap3A_428, %swap3A_429], %mul3A_427 {strides = array<i32>} : memref<64x128xf32, #tpu.memory_space<vmem>>, vector<16xf32>,
          %broadcast_in_dim3A_431 = vector.shape_cast %broadcast_in_dim3A_39 : vector<16xi32> to vector<16x1xi32>
          %gather3A_432 = vector.shape_cast %broadcast_in_dim3A_431 : vector<16x1xi32> to vector<16xi32>
          %gather3A_433 = tpu.dynamic_gather %exp3A[%gather3A_432] in [0] : vector<16xf32>, vector<16xi32> -> vector<16xf32>
          %mul3A_434 = arith.mulf %gather3A_433, %add3A_264 : vector<16xf32>
          %swap3A_435 = arith.index_cast %scan3A_179 : i32 to index
          %swap3A_436 = arith.constant 32 : index
          %swap3A_437 = tpu.vector_load %arg24[%swap3A_435, %swap3A_436] {strides = array<i32>} : memref<64x128xf32, #tpu.memory_space<vmem>>, vector<16xf32>,
          tpu.vector_store %arg24[%swap3A_435, %swap3A_436], %mul3A_434 {strides = array<i32>} : memref<64x128xf32, #tpu.memory_space<vmem>>, vector<16xf32>,
          %broadcast_in_dim3A_438 = vector.shape_cast %broadcast_in_dim3A_41 : vector<16xi32> to vector<16x1xi32>
          %gather3A_439 = vector.shape_cast %broadcast_in_dim3A_438 : vector<16x1xi32> to vector<16xi32>
          %gather3A_440 = tpu.dynamic_gather %exp3A[%gather3A_439] in [0] : vector<16xf32>, vector<16xi32> -> vector<16xf32>
          %mul3A_441 = arith.mulf %gather3A_440, %add3A_279 : vector<16xf32>
          %swap3A_442 = arith.index_cast %scan3A_179 : i32 to index
          %swap3A_443 = arith.constant 48 : index
          %swap3A_444 = tpu.vector_load %arg24[%swap3A_442, %swap3A_443] {strides = array<i32>} : memref<64x128xf32, #tpu.memory_space<vmem>>, vector<16xf32>,
          tpu.vector_store %arg24[%swap3A_442, %swap3A_443], %mul3A_441 {strides = array<i32>} : memref<64x128xf32, #tpu.memory_space<vmem>>, vector<16xf32>,
          %broadcast_in_dim3A_445 = vector.shape_cast %broadcast_in_dim3A_43 : vector<16xi32> to vector<16x1xi32>
          %gather3A_446 = vector.shape_cast %broadcast_in_dim3A_445 : vector<16x1xi32> to vector<16xi32>
          %gather3A_447 = tpu.dynamic_gather %exp3A[%gather3A_446] in [0] : vector<16xf32>, vector<16xi32> -> vector<16xf32>
          %mul3A_448 = arith.mulf %gather3A_447, %add3A_294 : vector<16xf32>
          %swap3A_449 = arith.index_cast %scan3A_179 : i32 to index
          %swap3A_450 = arith.constant 64 : index
          %swap3A_451 = tpu.vector_load %arg24[%swap3A_449, %swap3A_450] {strides = array<i32>} : memref<64x128xf32, #tpu.memory_space<vmem>>, vector<16xf32>,
          tpu.vector_store %arg24[%swap3A_449, %swap3A_450], %mul3A_448 {strides = array<i32>} : memref<64x128xf32, #tpu.memory_space<vmem>>, vector<16xf32>,
          %broadcast_in_dim3A_452 = vector.shape_cast %broadcast_in_dim3A_45 : vector<16xi32> to vector<16x1xi32>
          %gather3A_453 = vector.shape_cast %broadcast_in_dim3A_452 : vector<16x1xi32> to vector<16xi32>
          %gather3A_454 = tpu.dynamic_gather %exp3A[%gather3A_453] in [0] : vector<16xf32>, vector<16xi32> -> vector<16xf32>
          %mul3A_455 = arith.mulf %gather3A_454, %add3A_309 : vector<16xf32>
          %swap3A_456 = arith.index_cast %scan3A_179 : i32 to index
          %swap3A_457 = arith.constant 80 : index
          %swap3A_458 = tpu.vector_load %arg24[%swap3A_456, %swap3A_457] {strides = array<i32>} : memref<64x128xf32, #tpu.memory_space<vmem>>, vector<16xf32>,
          tpu.vector_store %arg24[%swap3A_456, %swap3A_457], %mul3A_455 {strides = array<i32>} : memref<64x128xf32, #tpu.memory_space<vmem>>, vector<16xf32>,
          %broadcast_in_dim3A_459 = vector.shape_cast %broadcast_in_dim3A_47 : vector<16xi32> to vector<16x1xi32>
          %gather3A_460 = vector.shape_cast %broadcast_in_dim3A_459 : vector<16x1xi32> to vector<16xi32>
          %gather3A_461 = tpu.dynamic_gather %exp3A[%gather3A_460] in [0] : vector<16xf32>, vector<16xi32> -> vector<16xf32>
          %mul3A_462 = arith.mulf %gather3A_461, %add3A_324 : vector<16xf32>
          %swap3A_463 = arith.index_cast %scan3A_179 : i32 to index
          %swap3A_464 = arith.constant 96 : index
          %swap3A_465 = tpu.vector_load %arg24[%swap3A_463, %swap3A_464] {strides = array<i32>} : memref<64x128xf32, #tpu.memory_space<vmem>>, vector<16xf32>,
          tpu.vector_store %arg24[%swap3A_463, %swap3A_464], %mul3A_462 {strides = array<i32>} : memref<64x128xf32, #tpu.memory_space<vmem>>, vector<16xf32>,
          %broadcast_in_dim3A_466 = vector.shape_cast %broadcast_in_dim3A_49 : vector<16xi32> to vector<16x1xi32>
          %gather3A_467 = vector.shape_cast %broadcast_in_dim3A_466 : vector<16x1xi32> to vector<16xi32>
          %gather3A_468 = tpu.dynamic_gather %exp3A[%gather3A_467] in [0] : vector<16xf32>, vector<16xi32> -> vector<16xf32>
          %mul3A_469 = arith.mulf %gather3A_468, %add3A_339 : vector<16xf32>
          %swap3A_470 = arith.index_cast %scan3A_179 : i32 to index
          %swap3A_471 = arith.constant 112 : index
          %swap3A_472 = tpu.vector_load %arg24[%swap3A_470, %swap3A_471] {strides = array<i32>} : memref<64x128xf32, #tpu.memory_space<vmem>>, vector<16xf32>,
          tpu.vector_store %arg24[%swap3A_470, %swap3A_471], %mul3A_469 {strides = array<i32>} : memref<64x128xf32, #tpu.memory_space<vmem>>, vector<16xf32>,
        }
        %scan3A_178 = arith.constant 32 : i32
        "tpu.region"() ({
          %run_scoped3A = tpu.sem_alloc : memref<!tpu.dma_semaphore, #tpu.memory_space<semaphore_mem>>
          %dma_start3A = arith.constant 0 : i32
          %dma_start3A_179 = arith.constant 0 : i32
          %dma_start3A_180 = tpu.memref_slice %arg26[%dma_start3A, %dma_start3A_179] : memref<10880x128xf32, #tpu.memory_space<vmem_shared>> -> memref<10880x128xf32, #tpu.memory_space<vmem_shared>>
          tpu.enqueue_indirect_dma source(%arg24 : memref<64x128xf32, #tpu.memory_space<vmem>>) target(%dma_start3A_180 : memref<10880x128xf32, #tpu.memory_space<vmem_shared>>) offsets(%arg15 : memref<64xi32, #tpu.memory_space<vmem>>) semaphore(%run_scoped3A : memref<!tpu.dma_semaphore, #tpu.memory_space<semaphore_mem>>) {add = true}
          %dma_wait3A_181 = arith.constant 0 : i32
          %dma_wait3A_182 = arith.constant 0 : i32
          %dma_wait3A_183 = tpu.memref_slice %arg26[%dma_wait3A_181, %dma_wait3A_182] : memref<10880x128xf32, #tpu.memory_space<vmem_shared>> -> memref<10880x128xf32, #tpu.memory_space<vmem_shared>>
          tpu.wait_indirect_dma semaphore(%run_scoped3A : memref<!tpu.dma_semaphore, #tpu.memory_space<semaphore_mem>>) src(%arg24 : memref<64x128xf32, #tpu.memory_space<vmem>>) dst(%dma_wait3A_183 : memref<10880x128xf32, #tpu.memory_space<vmem_shared>>)
          tpu.yield
        }) : () -> ()
        "tpu.region"() ({
          %run_scoped3A = tpu.sem_alloc : memref<!tpu.dma_semaphore, #tpu.memory_space<semaphore_mem>>
          %dma_start3A = arith.constant 32 : i32
          %dma_start3A_179 = arith.constant 0 : i32
          %dma_start3A_180 = tpu.memref_slice %arg24[%dma_start3A, %dma_start3A_179] : memref<64x128xf32, #tpu.memory_space<vmem>> -> memref<32x128xf32, #tpu.memory_space<vmem>>
          %dma_start3A_181 = arith.constant 32 : i32
          %dma_start3A_182 = arith.constant 0 : i32
          %dma_start3A_183 = tpu.memref_slice %arg24[%dma_start3A_181, %dma_start3A_182] : memref<64x128xf32, #tpu.memory_space<vmem>> -> memref<32x128xf32, #tpu.memory_space<vmem>>
          tpu.enqueue_dma source(%arg25 : memref<32x128xf32, #tpu.memory_space<vmem_shared>>) target(%dma_start3A_183 : memref<32x128xf32, #tpu.memory_space<vmem>>) target_semaphore(%run_scoped3A : memref<!tpu.dma_semaphore, #tpu.memory_space<semaphore_mem>>)
          %dma_wait3A_184 = arith.constant 32 : i32
          %dma_wait3A_185 = arith.constant 0 : i32
          %dma_wait3A_186 = tpu.memref_slice %arg24[%dma_wait3A_184, %dma_wait3A_185] : memref<64x128xf32, #tpu.memory_space<vmem>> -> memref<32x128xf32, #tpu.memory_space<vmem>>
          %dma_wait3A_187 = arith.constant 32 : i32
          %dma_wait3A_188 = arith.constant 0 : i32
          %dma_wait3A_189 = tpu.memref_slice %arg24[%dma_wait3A_187, %dma_wait3A_188] : memref<64x128xf32, #tpu.memory_space<vmem>> -> memref<32x128xf32, #tpu.memory_space<vmem>>
          tpu.wait_dma2 semaphore(%run_scoped3A : memref<!tpu.dma_semaphore, #tpu.memory_space<semaphore_mem>>) src(%arg25 : memref<32x128xf32, #tpu.memory_space<vmem_shared>>) dst(%dma_wait3A_189 : memref<32x128xf32, #tpu.memory_space<vmem>>)
          tpu.yield
        }) : () -> ()
      } else {
      }
    }
    %scan3A_75 = arith.constant 157 : i32
    %barrier3A_76 = arith.constant 0 : index
    tpu.barrier barrier_id(%barrier3A_76)
    %mul3A_77 = arith.constant 640 : i32
    %mul3A_78 = arith.muli %arg1, %mul3A_77 : i32
    %mul3A_79 = arith.constant 640 : i32
    %mul3A_80 = arith.muli %arg1, %mul3A_79 : i32
    "tpu.region"() ({
      %run_scoped3A = tpu.sem_alloc : memref<!tpu.dma_semaphore, #tpu.memory_space<semaphore_mem>>
      %dma_start3A = arith.constant 0 : i32
      %dma_start3A_87 = tpu.memref_slice %arg9[%arg0, %mul3A_80, %dma_start3A] : memref<2x10240x128xf32, #tpu.memory_space<hbm>> -> memref<1x640x128xf32, #tpu.memory_space<hbm>>
      %dma_start3A_88 = tpu.memref_squeeze %dma_start3A_87 : memref<1x640x128xf32, #tpu.memory_space<hbm>> -> memref<640x128xf32, #tpu.memory_space<hbm>>
      %dma_start3A_89 = arith.constant 0 : i32
      %dma_start3A_90 = tpu.memref_slice %arg26[%mul3A_78, %dma_start3A_89] : memref<10880x128xf32, #tpu.memory_space<vmem_shared>> -> memref<640x128xf32, #tpu.memory_space<vmem_shared>>
      tpu.enqueue_dma source(%dma_start3A_90 : memref<640x128xf32, #tpu.memory_space<vmem_shared>>) target(%dma_start3A_88 : memref<640x128xf32, #tpu.memory_space<hbm>>) target_semaphore(%run_scoped3A : memref<!tpu.dma_semaphore, #tpu.memory_space<semaphore_mem>>)
      %dma_wait3A = arith.constant 0 : i32
      %dma_wait3A_91 = tpu.memref_slice %arg9[%arg0, %mul3A_80, %dma_wait3A] : memref<2x10240x128xf32, #tpu.memory_space<hbm>> -> memref<1x640x128xf32, #tpu.memory_space<hbm>>
      %dma_wait3A_92 = tpu.memref_squeeze %dma_wait3A_91 : memref<1x640x128xf32, #tpu.memory_space<hbm>> -> memref<640x128xf32, #tpu.memory_space<hbm>>
      %dma_wait3A_93 = arith.constant 0 : i32
      %dma_wait3A_94 = tpu.memref_slice %arg26[%mul3A_78, %dma_wait3A_93] : memref<10880x128xf32, #tpu.memory_space<vmem_shared>> -> memref<640x128xf32, #tpu.memory_space<vmem_shared>>
      tpu.wait_dma2 semaphore(%run_scoped3A : memref<!tpu.dma_semaphore, #tpu.memory_space<semaphore_mem>>) src(%dma_wait3A_94 : memref<640x128xf32, #tpu.memory_space<vmem_shared>>) dst(%dma_wait3A_92 : memref<640x128xf32, #tpu.memory_space<hbm>>)
      tpu.yield
    }) : () -> ()
    %mul3A_81 = arith.constant 40 : i32
    %mul3A_82 = arith.muli %arg1, %mul3A_81 : i32
    %add3A_83 = arith.constant 10240 : i32
    %add3A_84 = arith.addi %add3A_83, %mul3A_82 : i32
    %mul3A_85 = arith.constant 40 : i32
    %mul3A_86 = arith.muli %arg1, %mul3A_85 : i32
    "tpu.region"() ({
      %run_scoped3A = tpu.sem_alloc : memref<!tpu.dma_semaphore, #tpu.memory_space<semaphore_mem>>
      %dma_start3A = arith.constant 0 : i32
      %dma_start3A_87 = tpu.memref_slice %arg10[%arg0, %mul3A_86, %dma_start3A] : memref<2x640x128xf32, #tpu.memory_space<hbm>> -> memref<1x40x128xf32, #tpu.memory_space<hbm>>
      %dma_start3A_88 = tpu.memref_squeeze %dma_start3A_87 : memref<1x40x128xf32, #tpu.memory_space<hbm>> -> memref<40x128xf32, #tpu.memory_space<hbm>>
      %dma_start3A_89 = arith.constant 0 : i32
      %dma_start3A_90 = tpu.memref_slice %arg26[%add3A_84, %dma_start3A_89] : memref<10880x128xf32, #tpu.memory_space<vmem_shared>> -> memref<40x128xf32, #tpu.memory_space<vmem_shared>>
      tpu.enqueue_dma source(%dma_start3A_90 : memref<40x128xf32, #tpu.memory_space<vmem_shared>>) target(%dma_start3A_88 : memref<40x128xf32, #tpu.memory_space<hbm>>) target_semaphore(%run_scoped3A : memref<!tpu.dma_semaphore, #tpu.memory_space<semaphore_mem>>)
      %dma_wait3A = arith.constant 0 : i32
      %dma_wait3A_91 = tpu.memref_slice %arg10[%arg0, %mul3A_86, %dma_wait3A] : memref<2x640x128xf32, #tpu.memory_space<hbm>> -> memref<1x40x128xf32, #tpu.memory_space<hbm>>
      %dma_wait3A_92 = tpu.memref_squeeze %dma_wait3A_91 : memref<1x40x128xf32, #tpu.memory_space<hbm>> -> memref<40x128xf32, #tpu.memory_space<hbm>>
      %dma_wait3A_93 = arith.constant 0 : i32
      %dma_wait3A_94 = tpu.memref_slice %arg26[%add3A_84, %dma_wait3A_93] : memref<10880x128xf32, #tpu.memory_space<vmem_shared>> -> memref<40x128xf32, #tpu.memory_space<vmem_shared>>
      tpu.wait_dma2 semaphore(%run_scoped3A : memref<!tpu.dma_semaphore, #tpu.memory_space<semaphore_mem>>) src(%dma_wait3A_94 : memref<40x128xf32, #tpu.memory_space<vmem_shared>>) dst(%dma_wait3A_92 : memref<40x128xf32, #tpu.memory_space<hbm>>)
      tpu.yield
    }) : () -> ()
    return
  }
}

module attributes {stable_mosaic.version = 14 : i64} {
  func.func @_tc_pre_body(%arg0: i32, %arg1: memref<1000x128xf32, #tpu.memory_space<vmem>>, %arg2: memref<1x128xf32, #tpu.memory_space<vmem>>, %arg3: memref<1x128xf32, #tpu.memory_space<vmem>>, %arg4: memref<128x128xf32, #tpu.memory_space<vmem>>, %arg5: memref<1x128xf32, #tpu.memory_space<vmem>>, %arg6: memref<128x128xf32, #tpu.memory_space<vmem>>, %arg7: memref<1x128xf32, #tpu.memory_space<vmem>>, %arg8: memref<128x128xf32, #tpu.memory_space<vmem>>, %arg9: memref<1x128xf32, #tpu.memory_space<vmem>>, %arg10: memref<128x128xf32, #tpu.memory_space<vmem>>, %arg11: memref<1x128xf32, #tpu.memory_space<vmem>>, %arg12: memref<4000x16xf32, #tpu.memory_space<vmem>>, %arg13: memref<16x128xf32, #tpu.memory_space<vmem>>, %arg14: memref<1x128xf32, #tpu.memory_space<vmem>>, %arg15: memref<1000x128xf32, #tpu.memory_space<vmem>>, %arg16: memref<1000x128xf32, #tpu.memory_space<vmem>>, %arg17: memref<1000x128xf32, #tpu.memory_space<vmem>>, %arg18: memref<1000x128xf32, #tpu.memory_space<vmem>>, %arg19: memref<4000x128xf32, #tpu.memory_space<vmem>>) attributes {dimension_semantics = [#tpu.dimension_semantics<arbitrary>], iteration_bounds = array<i64: 90>, scalar_prefetch = 0 : i64, scratch_operands = 0 : i64, tpu.core_type = #tpu.core_type<tc>, window_params = [{transform_indices = @transform_0, window_bounds = array<i64: 1000, 128>}, {pipeline_mode = #tpu.pipeline_mode<synchronous>, transform_indices = @transform_1, window_bounds = array<i64: 1, 128>}, {pipeline_mode = #tpu.pipeline_mode<synchronous>, transform_indices = @transform_2, window_bounds = array<i64: 1, 128>}, {pipeline_mode = #tpu.pipeline_mode<synchronous>, transform_indices = @transform_3, window_bounds = array<i64: 128, 128>}, {pipeline_mode = #tpu.pipeline_mode<synchronous>, transform_indices = @transform_4, window_bounds = array<i64: 1, 128>}, {pipeline_mode = #tpu.pipeline_mode<synchronous>, transform_indices = @transform_5, window_bounds = array<i64: 128, 128>}, {pipeline_mode = #tpu.pipeline_mode<synchronous>, transform_indices = @transform_6, window_bounds = array<i64: 1, 128>}, {pipeline_mode = #tpu.pipeline_mode<synchronous>, transform_indices = @transform_7, window_bounds = array<i64: 128, 128>}, {pipeline_mode = #tpu.pipeline_mode<synchronous>, transform_indices = @transform_8, window_bounds = array<i64: 1, 128>}, {pipeline_mode = #tpu.pipeline_mode<synchronous>, transform_indices = @transform_9, window_bounds = array<i64: 128, 128>}, {pipeline_mode = #tpu.pipeline_mode<synchronous>, transform_indices = @transform_10, window_bounds = array<i64: 1, 128>}, {transform_indices = @transform_11, window_bounds = array<i64: 4000, 16>}, {pipeline_mode = #tpu.pipeline_mode<synchronous>, transform_indices = @transform_12, window_bounds = array<i64: 16, 128>}, {pipeline_mode = #tpu.pipeline_mode<synchronous>, transform_indices = @transform_13, window_bounds = array<i64: 1, 128>}, {transform_indices = @transform_14, window_bounds = array<i64: 1000, 128>}, {transform_indices = @transform_15, window_bounds = array<i64: 1000, 128>}, {transform_indices = @transform_16, window_bounds = array<i64: 1000, 128>}, {transform_indices = @transform_17, window_bounds = array<i64: 1000, 128>}, {transform_indices = @transform_18, window_bounds = array<i64: 4000, 128>}]} {
    %lt3A = arith.constant 10 : i32
    %lt3A_0 = arith.cmpi slt, %arg0, %lt3A : i32
    %convert_element_type3A = arith.extui %lt3A_0 : i1 to i32
    %cond3A = arith.constant 0 : i32
    %cond3A_1 = arith.cmpi ne, %convert_element_type3A, %cond3A : i32
    scf.if %cond3A_1 {
      %get3A = arith.constant 0 : index
      %get3A_6 = arith.constant 0 : index
      %get3A_7 = vector.load %arg1[%get3A, %get3A_6] : memref<1000x128xf32, #tpu.memory_space<vmem>>, vector<1000x128xf32>
      %reduce_sum3A = arith.constant dense<0.000000e+00> : vector<1000xf32>
      %reduce_sum3A_8 = vector.multi_reduction <add>, %get3A_7, %reduce_sum3A [1] : vector<1000x128xf32> to vector<1000xf32>
      %broadcast_in_dim3A = vector.shape_cast %reduce_sum3A_8 : vector<1000xf32> to vector<1000x1xf32>
      %div3A = arith.constant 1.280000e+02 : f32
      %div3A_9 = vector.broadcast %div3A : f32 to vector<1000x1xf32>
      %div3A_10 = arith.divf %broadcast_in_dim3A, %div3A_9 : vector<1000x1xf32>
      %sub3A = vector.broadcast %div3A_10 : vector<1000x1xf32> to vector<1000x128xf32>
      %sub3A_11 = arith.subf %get3A_7, %sub3A : vector<1000x128xf32>
      %mul3A = arith.mulf %sub3A_11, %sub3A_11 : vector<1000x128xf32>
      %reduce_sum3A_12 = arith.constant dense<0.000000e+00> : vector<1000xf32>
      %reduce_sum3A_13 = vector.multi_reduction <add>, %mul3A, %reduce_sum3A_12 [1] : vector<1000x128xf32> to vector<1000xf32>
      %broadcast_in_dim3A_14 = vector.shape_cast %reduce_sum3A_13 : vector<1000xf32> to vector<1000x1xf32>
      %div3A_15 = arith.constant 1.280000e+02 : f32
      %div3A_16 = vector.broadcast %div3A_15 : f32 to vector<1000x1xf32>
      %div3A_17 = arith.divf %broadcast_in_dim3A_14, %div3A_16 : vector<1000x1xf32>
      %add3A = arith.constant 9.99999974E-6 : f32
      %add3A_18 = vector.broadcast %add3A : f32 to vector<1000x1xf32>
      %add3A_19 = arith.addf %div3A_17, %add3A_18 : vector<1000x1xf32>
      %rsqrt3A = math.rsqrt %add3A_19 : vector<1000x1xf32>
      %mul3A_20 = vector.broadcast %rsqrt3A : vector<1000x1xf32> to vector<1000x128xf32>
      %mul3A_21 = arith.mulf %sub3A_11, %mul3A_20 : vector<1000x128xf32>
      %get3A_22 = arith.constant 0 : index
      %get3A_23 = arith.constant 0 : index
      %get3A_24 = vector.load %arg2[%get3A_22, %get3A_23] : memref<1x128xf32, #tpu.memory_space<vmem>>, vector<1x128xf32>
      %mul3A_25 = vector.broadcast %get3A_24 : vector<1x128xf32> to vector<1000x128xf32>
      %mul3A_26 = arith.mulf %mul3A_21, %mul3A_25 : vector<1000x128xf32>
      %get3A_27 = arith.constant 0 : index
      %get3A_28 = arith.constant 0 : index
      %get3A_29 = vector.load %arg3[%get3A_27, %get3A_28] : memref<1x128xf32, #tpu.memory_space<vmem>>, vector<1x128xf32>
      %add3A_30 = vector.broadcast %get3A_29 : vector<1x128xf32> to vector<1000x128xf32>
      %add3A_31 = arith.addf %mul3A_26, %add3A_30 : vector<1000x128xf32>
      %get3A_32 = arith.constant 0 : index
      %get3A_33 = arith.constant 0 : index
      %get3A_34 = vector.load %arg4[%get3A_32, %get3A_33] : memref<128x128xf32, #tpu.memory_space<vmem>>, vector<128x128xf32>
      %dot_general3A = arith.constant dense<0.000000e+00> : vector<1000x128xf32>
      %dot_general3A_35 = tpu.matmul %add3A_31, %get3A_34, %dot_general3A {dimension_numbers = #tpu.dot_dimension_numbers<[1], [0], [0], [1], [0, 0, 1, 1], [], []>, transpose_lhs_hint = false} : vector<1000x128xf32>, vector<128x128xf32>, vector<1000x128xf32> -> vector<1000x128xf32>
      %get3A_36 = arith.constant 0 : index
      %get3A_37 = arith.constant 0 : index
      %get3A_38 = vector.load %arg5[%get3A_36, %get3A_37] : memref<1x128xf32, #tpu.memory_space<vmem>>, vector<1x128xf32>
      %add3A_39 = vector.broadcast %get3A_38 : vector<1x128xf32> to vector<1000x128xf32>
      %add3A_40 = arith.addf %dot_general3A_35, %add3A_39 : vector<1000x128xf32>
      %mul3A_41 = arith.constant 2.500000e-01 : f32
      %mul3A_42 = vector.broadcast %mul3A_41 : f32 to vector<1000x128xf32>
      %mul3A_43 = arith.mulf %add3A_40, %mul3A_42 : vector<1000x128xf32>
      %swap3A = arith.constant 0 : index
      %swap3A_44 = arith.constant 0 : index
      %swap3A_45 = vector.load %arg15[%swap3A, %swap3A_44] : memref<1000x128xf32, #tpu.memory_space<vmem>>, vector<1000x128xf32>
      tpu.vector_store %arg15[%swap3A, %swap3A_44], %mul3A_43 {strides = array<i32>} : memref<1000x128xf32, #tpu.memory_space<vmem>>, vector<1000x128xf32>,
      %get3A_46 = arith.constant 0 : index
      %get3A_47 = arith.constant 0 : index
      %get3A_48 = vector.load %arg6[%get3A_46, %get3A_47] : memref<128x128xf32, #tpu.memory_space<vmem>>, vector<128x128xf32>
      %dot_general3A_49 = arith.constant dense<0.000000e+00> : vector<1000x128xf32>
      %dot_general3A_50 = tpu.matmul %add3A_31, %get3A_48, %dot_general3A_49 {dimension_numbers = #tpu.dot_dimension_numbers<[1], [0], [0], [1], [0, 0, 1, 1], [], []>, transpose_lhs_hint = false} : vector<1000x128xf32>, vector<128x128xf32>, vector<1000x128xf32> -> vector<1000x128xf32>
      %get3A_51 = arith.constant 0 : index
      %get3A_52 = arith.constant 0 : index
      %get3A_53 = vector.load %arg7[%get3A_51, %get3A_52] : memref<1x128xf32, #tpu.memory_space<vmem>>, vector<1x128xf32>
      %add3A_54 = vector.broadcast %get3A_53 : vector<1x128xf32> to vector<1000x128xf32>
      %add3A_55 = arith.addf %dot_general3A_50, %add3A_54 : vector<1000x128xf32>
      %swap3A_56 = arith.constant 0 : index
      %swap3A_57 = arith.constant 0 : index
      %swap3A_58 = vector.load %arg16[%swap3A_56, %swap3A_57] : memref<1000x128xf32, #tpu.memory_space<vmem>>, vector<1000x128xf32>
      tpu.vector_store %arg16[%swap3A_56, %swap3A_57], %add3A_55 {strides = array<i32>} : memref<1000x128xf32, #tpu.memory_space<vmem>>, vector<1000x128xf32>,
      %get3A_59 = arith.constant 0 : index
      %get3A_60 = arith.constant 0 : index
      %get3A_61 = vector.load %arg8[%get3A_59, %get3A_60] : memref<128x128xf32, #tpu.memory_space<vmem>>, vector<128x128xf32>
      %dot_general3A_62 = arith.constant dense<0.000000e+00> : vector<1000x128xf32>
      %dot_general3A_63 = tpu.matmul %add3A_31, %get3A_61, %dot_general3A_62 {dimension_numbers = #tpu.dot_dimension_numbers<[1], [0], [0], [1], [0, 0, 1, 1], [], []>, transpose_lhs_hint = false} : vector<1000x128xf32>, vector<128x128xf32>, vector<1000x128xf32> -> vector<1000x128xf32>
      %get3A_64 = arith.constant 0 : index
      %get3A_65 = arith.constant 0 : index
      %get3A_66 = vector.load %arg9[%get3A_64, %get3A_65] : memref<1x128xf32, #tpu.memory_space<vmem>>, vector<1x128xf32>
      %add3A_67 = vector.broadcast %get3A_66 : vector<1x128xf32> to vector<1000x128xf32>
      %add3A_68 = arith.addf %dot_general3A_63, %add3A_67 : vector<1000x128xf32>
      %swap3A_69 = arith.constant 0 : index
      %swap3A_70 = arith.constant 0 : index
      %swap3A_71 = vector.load %arg17[%swap3A_69, %swap3A_70] : memref<1000x128xf32, #tpu.memory_space<vmem>>, vector<1000x128xf32>
      tpu.vector_store %arg17[%swap3A_69, %swap3A_70], %add3A_68 {strides = array<i32>} : memref<1000x128xf32, #tpu.memory_space<vmem>>, vector<1000x128xf32>,
      %get3A_72 = arith.constant 0 : index
      %get3A_73 = arith.constant 0 : index
      %get3A_74 = vector.load %arg10[%get3A_72, %get3A_73] : memref<128x128xf32, #tpu.memory_space<vmem>>, vector<128x128xf32>
      %dot_general3A_75 = arith.constant dense<0.000000e+00> : vector<1000x128xf32>
      %dot_general3A_76 = tpu.matmul %add3A_31, %get3A_74, %dot_general3A_75 {dimension_numbers = #tpu.dot_dimension_numbers<[1], [0], [0], [1], [0, 0, 1, 1], [], []>, transpose_lhs_hint = false} : vector<1000x128xf32>, vector<128x128xf32>, vector<1000x128xf32> -> vector<1000x128xf32>
      %get3A_77 = arith.constant 0 : index
      %get3A_78 = arith.constant 0 : index
      %get3A_79 = vector.load %arg11[%get3A_77, %get3A_78] : memref<1x128xf32, #tpu.memory_space<vmem>>, vector<1x128xf32>
      %add3A_80 = vector.broadcast %get3A_79 : vector<1x128xf32> to vector<1000x128xf32>
      %add3A_81 = arith.addf %dot_general3A_76, %add3A_80 : vector<1000x128xf32>
      %swap3A_82 = arith.constant 0 : index
      %swap3A_83 = arith.constant 0 : index
      %swap3A_84 = vector.load %arg18[%swap3A_82, %swap3A_83] : memref<1000x128xf32, #tpu.memory_space<vmem>>, vector<1000x128xf32>
      tpu.vector_store %arg18[%swap3A_82, %swap3A_83], %add3A_81 {strides = array<i32>} : memref<1000x128xf32, #tpu.memory_space<vmem>>, vector<1000x128xf32>,
    } else {
    }
    %ge3A = arith.constant 10 : i32
    %ge3A_2 = arith.cmpi sge, %arg0, %ge3A : i32
    %convert_element_type3A_3 = arith.extui %ge3A_2 : i1 to i32
    %cond3A_4 = arith.constant 0 : i32
    %cond3A_5 = arith.cmpi ne, %convert_element_type3A_3, %cond3A_4 : i32
    scf.if %cond3A_5 {
      %get3A = arith.constant 0 : index
      %get3A_6 = arith.constant 0 : index
      %get3A_7 = vector.load %arg12[%get3A, %get3A_6] : memref<4000x16xf32, #tpu.memory_space<vmem>>, vector<4000x16xf32>
      %get3A_8 = arith.constant 0 : index
      %get3A_9 = arith.constant 0 : index
      %get3A_10 = vector.load %arg13[%get3A_8, %get3A_9] : memref<16x128xf32, #tpu.memory_space<vmem>>, vector<16x128xf32>
      %dot_general3A = arith.constant dense<0.000000e+00> : vector<4000x128xf32>
      %dot_general3A_11 = tpu.matmul %get3A_7, %get3A_10, %dot_general3A {dimension_numbers = #tpu.dot_dimension_numbers<[1], [0], [0], [1], [0, 0, 1, 1], [], []>, transpose_lhs_hint = false} : vector<4000x16xf32>, vector<16x128xf32>, vector<4000x128xf32> -> vector<4000x128xf32>
      %get3A_12 = arith.constant 0 : index
      %get3A_13 = arith.constant 0 : index
      %get3A_14 = vector.load %arg14[%get3A_12, %get3A_13] : memref<1x128xf32, #tpu.memory_space<vmem>>, vector<1x128xf32>
      %add3A = vector.broadcast %get3A_14 : vector<1x128xf32> to vector<4000x128xf32>
      %add3A_15 = arith.addf %dot_general3A_11, %add3A : vector<4000x128xf32>
      %swap3A = arith.constant 0 : index
      %swap3A_16 = arith.constant 0 : index
      %swap3A_17 = vector.load %arg19[%swap3A, %swap3A_16] : memref<4000x128xf32, #tpu.memory_space<vmem>>, vector<4000x128xf32>
      tpu.vector_store %arg19[%swap3A, %swap3A_16], %add3A_15 {strides = array<i32>} : memref<4000x128xf32, #tpu.memory_space<vmem>>, vector<4000x128xf32>,
    } else {
    }
    return
  }
  func.func @transform_0(%arg0: i32) -> (i32, i32) {
    %min3A = arith.constant 9 : i32
    %min3A_0 = arith.minsi %arg0, %min3A : i32
    %c0_i32 = arith.constant 0 : i32
    %c0_i32_1 = arith.constant 0 : i32
    return %min3A_0, %c0_i32 : i32, i32
  }
  func.func @transform_1(%arg0: i32) -> (i32, i32) {
    %c0_i32 = arith.constant 0 : i32
    %c0_i32_0 = arith.constant 0 : i32
    %c0_i32_1 = arith.constant 0 : i32
    return %c0_i32, %c0_i32_0 : i32, i32
  }
  func.func @transform_2(%arg0: i32) -> (i32, i32) {
    %c0_i32 = arith.constant 0 : i32
    %c0_i32_0 = arith.constant 0 : i32
    %c0_i32_1 = arith.constant 0 : i32
    return %c0_i32, %c0_i32_0 : i32, i32
  }
  func.func @transform_3(%arg0: i32) -> (i32, i32) {
    %c0_i32 = arith.constant 0 : i32
    %c0_i32_0 = arith.constant 0 : i32
    %c0_i32_1 = arith.constant 0 : i32
    return %c0_i32, %c0_i32_0 : i32, i32
  }
  func.func @transform_4(%arg0: i32) -> (i32, i32) {
    %c0_i32 = arith.constant 0 : i32
    %c0_i32_0 = arith.constant 0 : i32
    %c0_i32_1 = arith.constant 0 : i32
    return %c0_i32, %c0_i32_0 : i32, i32
  }
  func.func @transform_5(%arg0: i32) -> (i32, i32) {
    %c0_i32 = arith.constant 0 : i32
    %c0_i32_0 = arith.constant 0 : i32
    %c0_i32_1 = arith.constant 0 : i32
    return %c0_i32, %c0_i32_0 : i32, i32
  }
  func.func @transform_6(%arg0: i32) -> (i32, i32) {
    %c0_i32 = arith.constant 0 : i32
    %c0_i32_0 = arith.constant 0 : i32
    %c0_i32_1 = arith.constant 0 : i32
    return %c0_i32, %c0_i32_0 : i32, i32
  }
  func.func @transform_7(%arg0: i32) -> (i32, i32) {
    %c0_i32 = arith.constant 0 : i32
    %c0_i32_0 = arith.constant 0 : i32
    %c0_i32_1 = arith.constant 0 : i32
    return %c0_i32, %c0_i32_0 : i32, i32
  }
  func.func @transform_8(%arg0: i32) -> (i32, i32) {
    %c0_i32 = arith.constant 0 : i32
    %c0_i32_0 = arith.constant 0 : i32
    %c0_i32_1 = arith.constant 0 : i32
    return %c0_i32, %c0_i32_0 : i32, i32
  }
  func.func @transform_9(%arg0: i32) -> (i32, i32) {
    %c0_i32 = arith.constant 0 : i32
    %c0_i32_0 = arith.constant 0 : i32
    %c0_i32_1 = arith.constant 0 : i32
    return %c0_i32, %c0_i32_0 : i32, i32
  }
  func.func @transform_10(%arg0: i32) -> (i32, i32) {
    %c0_i32 = arith.constant 0 : i32
    %c0_i32_0 = arith.constant 0 : i32
    %c0_i32_1 = arith.constant 0 : i32
    return %c0_i32, %c0_i32_0 : i32, i32
  }
  func.func @transform_11(%arg0: i32) -> (i32, i32) {
    %sub3A = arith.constant 10 : i32
    %sub3A_0 = arith.subi %arg0, %sub3A : i32
    %max3A = arith.constant 0 : i32
    %max3A_1 = arith.maxsi %sub3A_0, %max3A : i32
    %c0_i32 = arith.constant 0 : i32
    %c0_i32_2 = arith.constant 0 : i32
    return %max3A_1, %c0_i32 : i32, i32
  }
  func.func @transform_12(%arg0: i32) -> (i32, i32) {
    %c0_i32 = arith.constant 0 : i32
    %c0_i32_0 = arith.constant 0 : i32
    %c0_i32_1 = arith.constant 0 : i32
    return %c0_i32, %c0_i32_0 : i32, i32
  }
  func.func @transform_13(%arg0: i32) -> (i32, i32) {
    %c0_i32 = arith.constant 0 : i32
    %c0_i32_0 = arith.constant 0 : i32
    %c0_i32_1 = arith.constant 0 : i32
    return %c0_i32, %c0_i32_0 : i32, i32
  }
  func.func @transform_14(%arg0: i32) -> (i32, i32) {
    %min3A = arith.constant 9 : i32
    %min3A_0 = arith.minsi %arg0, %min3A : i32
    %c0_i32 = arith.constant 0 : i32
    %c0_i32_1 = arith.constant 0 : i32
    return %min3A_0, %c0_i32 : i32, i32
  }
  func.func @transform_15(%arg0: i32) -> (i32, i32) {
    %min3A = arith.constant 9 : i32
    %min3A_0 = arith.minsi %arg0, %min3A : i32
    %c0_i32 = arith.constant 0 : i32
    %c0_i32_1 = arith.constant 0 : i32
    return %min3A_0, %c0_i32 : i32, i32
  }
  func.func @transform_16(%arg0: i32) -> (i32, i32) {
    %min3A = arith.constant 9 : i32
    %min3A_0 = arith.minsi %arg0, %min3A : i32
    %c0_i32 = arith.constant 0 : i32
    %c0_i32_1 = arith.constant 0 : i32
    return %min3A_0, %c0_i32 : i32, i32
  }
  func.func @transform_17(%arg0: i32) -> (i32, i32) {
    %min3A = arith.constant 9 : i32
    %min3A_0 = arith.minsi %arg0, %min3A : i32
    %c0_i32 = arith.constant 0 : i32
    %c0_i32_1 = arith.constant 0 : i32
    return %min3A_0, %c0_i32 : i32, i32
  }
  func.func @transform_18(%arg0: i32) -> (i32, i32) {
    %sub3A = arith.constant 10 : i32
    %sub3A_0 = arith.subi %arg0, %sub3A : i32
    %max3A = arith.constant 0 : i32
    %max3A_1 = arith.maxsi %sub3A_0, %max3A : i32
    %c0_i32 = arith.constant 0 : i32
    %c0_i32_2 = arith.constant 0 : i32
    return %max3A_1, %c0_i32 : i32, i32
  }
}

module attributes {stable_mosaic.version = 14 : i64} {
  func.func @_tc_post_body(%arg0: i32, %arg1: memref<1x1000x128xf32, #tpu.memory_space<vmem>>, %arg2: memref<1x1000x128xf32, #tpu.memory_space<vmem>>, %arg3: memref<1000x8xf32, #tpu.memory_space<vmem>>, %arg4: memref<1000x8xf32, #tpu.memory_space<vmem>>, %arg5: memref<1000x128xf32, #tpu.memory_space<vmem>>, %arg6: memref<1000x128xf32, #tpu.memory_space<vmem>>, %arg7: memref<128x128xf32, #tpu.memory_space<vmem>>, %arg8: memref<1x128xf32, #tpu.memory_space<vmem>>, %arg9: memref<1x128xf32, #tpu.memory_space<vmem>>, %arg10: memref<1x128xf32, #tpu.memory_space<vmem>>, %arg11: memref<128x512xf32, #tpu.memory_space<vmem>>, %arg12: memref<1x512xf32, #tpu.memory_space<vmem>>, %arg13: memref<512x128xf32, #tpu.memory_space<vmem>>, %arg14: memref<1x128xf32, #tpu.memory_space<vmem>>, %arg15: memref<1000x128xf32, #tpu.memory_space<vmem>>) attributes {dimension_semantics = [#tpu.dimension_semantics<arbitrary>], iteration_bounds = array<i64: 10>, scalar_prefetch = 0 : i64, scratch_operands = 0 : i64, tpu.core_type = #tpu.core_type<tc>, window_params = [{transform_indices = @transform_0, window_bounds = array<i64: 1, 1000, 128>}, {transform_indices = @transform_1, window_bounds = array<i64: 1, 1000, 128>}, {transform_indices = @transform_2, window_bounds = array<i64: 1000, 8>}, {transform_indices = @transform_3, window_bounds = array<i64: 1000, 8>}, {transform_indices = @transform_4, window_bounds = array<i64: 1000, 128>}, {transform_indices = @transform_5, window_bounds = array<i64: 1000, 128>}, {pipeline_mode = #tpu.pipeline_mode<synchronous>, transform_indices = @transform_6, window_bounds = array<i64: 128, 128>}, {pipeline_mode = #tpu.pipeline_mode<synchronous>, transform_indices = @transform_7, window_bounds = array<i64: 1, 128>}, {pipeline_mode = #tpu.pipeline_mode<synchronous>, transform_indices = @transform_8, window_bounds = array<i64: 1, 128>}, {pipeline_mode = #tpu.pipeline_mode<synchronous>, transform_indices = @transform_9, window_bounds = array<i64: 1, 128>}, {pipeline_mode = #tpu.pipeline_mode<synchronous>, transform_indices = @transform_10, window_bounds = array<i64: 128, 512>}, {pipeline_mode = #tpu.pipeline_mode<synchronous>, transform_indices = @transform_11, window_bounds = array<i64: 1, 512>}, {pipeline_mode = #tpu.pipeline_mode<synchronous>, transform_indices = @transform_12, window_bounds = array<i64: 512, 128>}, {pipeline_mode = #tpu.pipeline_mode<synchronous>, transform_indices = @transform_13, window_bounds = array<i64: 1, 128>}, {transform_indices = @transform_14, window_bounds = array<i64: 1000, 128>}]} {
    %get3A = arith.constant 0 : index
    %get3A_0 = arith.constant 0 : index
    %get3A_1 = arith.constant 0 : index
    %get3A_2 = vector.load %arg1[%get3A, %get3A_0, %get3A_1] : memref<1x1000x128xf32, #tpu.memory_space<vmem>>, vector<1x1000x128xf32>
    %get3A_3 = vector.shape_cast %get3A_2 : vector<1x1000x128xf32> to vector<1000x128xf32>
    %get3A_4 = arith.constant 0 : index
    %get3A_5 = arith.constant 0 : index
    %get3A_6 = arith.constant 0 : index
    %get3A_7 = vector.load %arg2[%get3A_4, %get3A_5, %get3A_6] : memref<1x1000x128xf32, #tpu.memory_space<vmem>>, vector<1x1000x128xf32>
    %get3A_8 = vector.shape_cast %get3A_7 : vector<1x1000x128xf32> to vector<1000x128xf32>
    %add3A = arith.addf %get3A_3, %get3A_8 : vector<1000x128xf32>
    %get3A_9 = arith.constant 0 : index
    %get3A_10 = arith.constant 0 : index
    %get3A_11 = vector.load %arg3[%get3A_9, %get3A_10] : memref<1000x8xf32, #tpu.memory_space<vmem>>, vector<1000x8xf32>
    %get3A_12 = arith.constant 0 : index
    %get3A_13 = arith.constant 0 : index
    %get3A_14 = vector.load %arg4[%get3A_12, %get3A_13] : memref<1000x8xf32, #tpu.memory_space<vmem>>, vector<1000x8xf32>
    %add3A_15 = arith.addf %get3A_11, %get3A_14 : vector<1000x8xf32>
    %iota3A = tpu.iota {dimensions = array<i32: 0>} : vector<8x128xi32>
    %iota3A_16 = tpu.iota {dimensions = array<i32: 1>} : vector<8x128xi32>
    %jit3A = arith.constant 16 : i32
    %div3A = vector.broadcast %jit3A : i32 to vector<8x128xi32>
    %div3A_17 = arith.divsi %iota3A_16, %div3A : vector<8x128xi32>
    %sign3A = arith.constant 0 : i32
    %sign3A_18 = vector.broadcast %sign3A : i32 to vector<8x128xi32>
    %sign3A_19 = arith.cmpi sgt, %iota3A_16, %sign3A_18 : vector<8x128xi32>
    %sign3A_20 = arith.extui %sign3A_19 : vector<8x128xi1> to vector<8x128xi32>
    %sign3A_21 = arith.constant 0 : i32
    %sign3A_22 = vector.broadcast %sign3A_21 : i32 to vector<8x128xi32>
    %sign3A_23 = arith.cmpi slt, %iota3A_16, %sign3A_22 : vector<8x128xi32>
    %sign3A_24 = arith.extui %sign3A_23 : vector<8x128xi1> to vector<8x128xi32>
    %sign3A_25 = arith.subi %sign3A_20, %sign3A_24 : vector<8x128xi32>
    %sign3A_26 = arith.constant 0 : i32
    %sign3A_27 = arith.cmpi sgt, %jit3A, %sign3A_26 : i32
    %sign3A_28 = arith.extui %sign3A_27 : i1 to i32
    %sign3A_29 = arith.constant 0 : i32
    %sign3A_30 = arith.cmpi slt, %jit3A, %sign3A_29 : i32
    %sign3A_31 = arith.extui %sign3A_30 : i1 to i32
    %sign3A_32 = arith.subi %sign3A_28, %sign3A_31 : i32
    %ne3A = vector.broadcast %sign3A_32 : i32 to vector<8x128xi32>
    %ne3A_33 = arith.cmpi ne, %sign3A_25, %ne3A : vector<8x128xi32>
    %rem3A = vector.broadcast %jit3A : i32 to vector<8x128xi32>
    %rem3A_34 = arith.remsi %iota3A_16, %rem3A : vector<8x128xi32>
    %ne3A_35 = arith.constant 0 : i32
    %ne3A_36 = vector.broadcast %ne3A_35 : i32 to vector<8x128xi32>
    %ne3A_37 = arith.cmpi ne, %rem3A_34, %ne3A_36 : vector<8x128xi32>
    %and3A = arith.andi %ne3A_33, %ne3A_37 : vector<8x128xi1>
    %sub3A = arith.constant 1 : i32
    %sub3A_38 = vector.broadcast %sub3A : i32 to vector<8x128xi32>
    %sub3A_39 = arith.subi %div3A_17, %sub3A_38 : vector<8x128xi32>
    %select_n3A = arith.select %and3A, %sub3A_39, %div3A_17 : vector<8x128xi1>, vector<8x128xi32>
    %eq3A = arith.cmpi eq, %select_n3A, %iota3A : vector<8x128xi32>
    %jit3A_40 = arith.constant 1.000000e+00 : f32
    %jit3A_41 = arith.constant 0.000000e+00 : f32
    %broadcast_in_dim3A = vector.broadcast %jit3A_40 : f32 to vector<8x128xf32>
    %broadcast_in_dim3A_42 = vector.broadcast %jit3A_41 : f32 to vector<8x128xf32>
    %select_n3A_43 = arith.select %eq3A, %broadcast_in_dim3A, %broadcast_in_dim3A_42 : vector<8x128xi1>, vector<8x128xf32>
    %dot_general3A = arith.constant dense<0.000000e+00> : vector<1000x128xf32>
    %dot_general3A_44 = tpu.matmul %add3A_15, %select_n3A_43, %dot_general3A {dimension_numbers = #tpu.dot_dimension_numbers<[1], [0], [0], [1], [0, 0, 1, 1], [], []>, transpose_lhs_hint = false} : vector<1000x8xf32>, vector<8x128xf32>, vector<1000x128xf32> -> vector<1000x128xf32>
    %add3A_45 = arith.constant 1.000000e-16 : f32
    %add3A_46 = vector.broadcast %add3A_45 : f32 to vector<1000x128xf32>
    %add3A_47 = arith.addf %dot_general3A_44, %add3A_46 : vector<1000x128xf32>
    %div3A_48 = arith.divf %add3A, %add3A_47 : vector<1000x128xf32>
    %get3A_49 = arith.constant 0 : index
    %get3A_50 = arith.constant 0 : index
    %get3A_51 = vector.load %arg5[%get3A_49, %get3A_50] : memref<1000x128xf32, #tpu.memory_space<vmem>>, vector<1000x128xf32>
    %add3A_52 = arith.addf %div3A_48, %get3A_51 : vector<1000x128xf32>
    %get3A_53 = arith.constant 0 : index
    %get3A_54 = arith.constant 0 : index
    %get3A_55 = vector.load %arg7[%get3A_53, %get3A_54] : memref<128x128xf32, #tpu.memory_space<vmem>>, vector<128x128xf32>
    %dot_general3A_56 = arith.constant dense<0.000000e+00> : vector<1000x128xf32>
    %dot_general3A_57 = tpu.matmul %add3A_52, %get3A_55, %dot_general3A_56 {dimension_numbers = #tpu.dot_dimension_numbers<[1], [0], [0], [1], [0, 0, 1, 1], [], []>, transpose_lhs_hint = false} : vector<1000x128xf32>, vector<128x128xf32>, vector<1000x128xf32> -> vector<1000x128xf32>
    %get3A_58 = arith.constant 0 : index
    %get3A_59 = arith.constant 0 : index
    %get3A_60 = vector.load %arg8[%get3A_58, %get3A_59] : memref<1x128xf32, #tpu.memory_space<vmem>>, vector<1x128xf32>
    %add3A_61 = vector.broadcast %get3A_60 : vector<1x128xf32> to vector<1000x128xf32>
    %add3A_62 = arith.addf %dot_general3A_57, %add3A_61 : vector<1000x128xf32>
    %get3A_63 = arith.constant 0 : index
    %get3A_64 = arith.constant 0 : index
    %get3A_65 = vector.load %arg6[%get3A_63, %get3A_64] : memref<1000x128xf32, #tpu.memory_space<vmem>>, vector<1000x128xf32>
    %add3A_66 = arith.addf %add3A_62, %get3A_65 : vector<1000x128xf32>
    %reduce_sum3A = arith.constant dense<0.000000e+00> : vector<1000xf32>
    %reduce_sum3A_67 = vector.multi_reduction <add>, %add3A_66, %reduce_sum3A [1] : vector<1000x128xf32> to vector<1000xf32>
    %broadcast_in_dim3A_68 = vector.shape_cast %reduce_sum3A_67 : vector<1000xf32> to vector<1000x1xf32>
    %div3A_69 = arith.constant 1.280000e+02 : f32
    %div3A_70 = vector.broadcast %div3A_69 : f32 to vector<1000x1xf32>
    %div3A_71 = arith.divf %broadcast_in_dim3A_68, %div3A_70 : vector<1000x1xf32>
    %sub3A_72 = vector.broadcast %div3A_71 : vector<1000x1xf32> to vector<1000x128xf32>
    %sub3A_73 = arith.subf %add3A_66, %sub3A_72 : vector<1000x128xf32>
    %mul3A = arith.mulf %sub3A_73, %sub3A_73 : vector<1000x128xf32>
    %reduce_sum3A_74 = arith.constant dense<0.000000e+00> : vector<1000xf32>
    %reduce_sum3A_75 = vector.multi_reduction <add>, %mul3A, %reduce_sum3A_74 [1] : vector<1000x128xf32> to vector<1000xf32>
    %broadcast_in_dim3A_76 = vector.shape_cast %reduce_sum3A_75 : vector<1000xf32> to vector<1000x1xf32>
    %div3A_77 = arith.constant 1.280000e+02 : f32
    %div3A_78 = vector.broadcast %div3A_77 : f32 to vector<1000x1xf32>
    %div3A_79 = arith.divf %broadcast_in_dim3A_76, %div3A_78 : vector<1000x1xf32>
    %add3A_80 = arith.constant 9.99999974E-6 : f32
    %add3A_81 = vector.broadcast %add3A_80 : f32 to vector<1000x1xf32>
    %add3A_82 = arith.addf %div3A_79, %add3A_81 : vector<1000x1xf32>
    %rsqrt3A = math.rsqrt %add3A_82 : vector<1000x1xf32>
    %mul3A_83 = vector.broadcast %rsqrt3A : vector<1000x1xf32> to vector<1000x128xf32>
    %mul3A_84 = arith.mulf %sub3A_73, %mul3A_83 : vector<1000x128xf32>
    %get3A_85 = arith.constant 0 : index
    %get3A_86 = arith.constant 0 : index
    %get3A_87 = vector.load %arg9[%get3A_85, %get3A_86] : memref<1x128xf32, #tpu.memory_space<vmem>>, vector<1x128xf32>
    %mul3A_88 = vector.broadcast %get3A_87 : vector<1x128xf32> to vector<1000x128xf32>
    %mul3A_89 = arith.mulf %mul3A_84, %mul3A_88 : vector<1000x128xf32>
    %get3A_90 = arith.constant 0 : index
    %get3A_91 = arith.constant 0 : index
    %get3A_92 = vector.load %arg10[%get3A_90, %get3A_91] : memref<1x128xf32, #tpu.memory_space<vmem>>, vector<1x128xf32>
    %add3A_93 = vector.broadcast %get3A_92 : vector<1x128xf32> to vector<1000x128xf32>
    %add3A_94 = arith.addf %mul3A_89, %add3A_93 : vector<1000x128xf32>
    %get3A_95 = arith.constant 0 : index
    %get3A_96 = arith.constant 0 : index
    %get3A_97 = vector.load %arg11[%get3A_95, %get3A_96] : memref<128x512xf32, #tpu.memory_space<vmem>>, vector<128x512xf32>
    %dot_general3A_98 = arith.constant dense<0.000000e+00> : vector<1000x512xf32>
    %dot_general3A_99 = tpu.matmul %add3A_94, %get3A_97, %dot_general3A_98 {dimension_numbers = #tpu.dot_dimension_numbers<[1], [0], [0], [1], [0, 0, 1, 1], [], []>, transpose_lhs_hint = false} : vector<1000x128xf32>, vector<128x512xf32>, vector<1000x512xf32> -> vector<1000x512xf32>
    %get3A_100 = arith.constant 0 : index
    %get3A_101 = arith.constant 0 : index
    %get3A_102 = vector.load %arg12[%get3A_100, %get3A_101] : memref<1x512xf32, #tpu.memory_space<vmem>>, vector<1x512xf32>
    %add3A_103 = vector.broadcast %get3A_102 : vector<1x512xf32> to vector<1000x512xf32>
    %add3A_104 = arith.addf %dot_general3A_99, %add3A_103 : vector<1000x512xf32>
    %integer_pow3A = arith.mulf %add3A_104, %add3A_104 : vector<1000x512xf32>
    %integer_pow3A_105 = arith.mulf %add3A_104, %integer_pow3A : vector<1000x512xf32>
    %mul3A_106 = arith.constant 4.471500e-02 : f32
    %mul3A_107 = vector.broadcast %mul3A_106 : f32 to vector<1000x512xf32>
    %mul3A_108 = arith.mulf %mul3A_107, %integer_pow3A_105 : vector<1000x512xf32>
    %add3A_109 = arith.addf %add3A_104, %mul3A_108 : vector<1000x512xf32>
    %mul3A_110 = arith.constant 0.797884583 : f32
    %mul3A_111 = vector.broadcast %mul3A_110 : f32 to vector<1000x512xf32>
    %mul3A_112 = arith.mulf %mul3A_111, %add3A_109 : vector<1000x512xf32>
    %tanh3A = math.tanh %mul3A_112 : vector<1000x512xf32>
    %add3A_113 = arith.constant 1.000000e+00 : f32
    %add3A_114 = vector.broadcast %add3A_113 : f32 to vector<1000x512xf32>
    %add3A_115 = arith.addf %add3A_114, %tanh3A : vector<1000x512xf32>
    %mul3A_116 = arith.constant 5.000000e-01 : f32
    %mul3A_117 = vector.broadcast %mul3A_116 : f32 to vector<1000x512xf32>
    %mul3A_118 = arith.mulf %mul3A_117, %add3A_115 : vector<1000x512xf32>
    %mul3A_119 = arith.mulf %add3A_104, %mul3A_118 : vector<1000x512xf32>
    %get3A_120 = arith.constant 0 : index
    %get3A_121 = arith.constant 0 : index
    %get3A_122 = vector.load %arg13[%get3A_120, %get3A_121] : memref<512x128xf32, #tpu.memory_space<vmem>>, vector<512x128xf32>
    %dot_general3A_123 = arith.constant dense<0.000000e+00> : vector<1000x128xf32>
    %dot_general3A_124 = tpu.matmul %mul3A_119, %get3A_122, %dot_general3A_123 {dimension_numbers = #tpu.dot_dimension_numbers<[1], [0], [0], [1], [0, 0, 1, 1], [], []>, transpose_lhs_hint = false} : vector<1000x512xf32>, vector<512x128xf32>, vector<1000x128xf32> -> vector<1000x128xf32>
    %get3A_125 = arith.constant 0 : index
    %get3A_126 = arith.constant 0 : index
    %get3A_127 = vector.load %arg14[%get3A_125, %get3A_126] : memref<1x128xf32, #tpu.memory_space<vmem>>, vector<1x128xf32>
    %add3A_128 = vector.broadcast %get3A_127 : vector<1x128xf32> to vector<1000x128xf32>
    %add3A_129 = arith.addf %dot_general3A_124, %add3A_128 : vector<1000x128xf32>
    %add3A_130 = arith.addf %add3A_66, %add3A_129 : vector<1000x128xf32>
    %swap3A = arith.constant 0 : index
    %swap3A_131 = arith.constant 0 : index
    %swap3A_132 = vector.load %arg15[%swap3A, %swap3A_131] : memref<1000x128xf32, #tpu.memory_space<vmem>>, vector<1000x128xf32>
    tpu.vector_store %arg15[%swap3A, %swap3A_131], %add3A_130 {strides = array<i32>} : memref<1000x128xf32, #tpu.memory_space<vmem>>, vector<1000x128xf32>,
    return
  }
  func.func @transform_0(%arg0: i32) -> (i32, i32, i32) {
    %c0_i32 = arith.constant 0 : i32
    %c0_i32_0 = arith.constant 0 : i32
    %c0_i32_1 = arith.constant 0 : i32
    return %c0_i32, %arg0, %c0_i32_0 : i32, i32, i32
  }
  func.func @transform_1(%arg0: i32) -> (i32, i32, i32) {
    %c1_i32 = arith.constant 1 : i32
    %c0_i32 = arith.constant 0 : i32
    %c0_i32_0 = arith.constant 0 : i32
    return %c1_i32, %arg0, %c0_i32 : i32, i32, i32
  }
  func.func @transform_2(%arg0: i32) -> (i32, i32) {
    %c0_i32 = arith.constant 0 : i32
    %c0_i32_0 = arith.constant 0 : i32
    return %arg0, %c0_i32 : i32, i32
  }
  func.func @transform_3(%arg0: i32) -> (i32, i32) {
    %c0_i32 = arith.constant 0 : i32
    %c0_i32_0 = arith.constant 0 : i32
    return %arg0, %c0_i32 : i32, i32
  }
  func.func @transform_4(%arg0: i32) -> (i32, i32) {
    %c0_i32 = arith.constant 0 : i32
    %c0_i32_0 = arith.constant 0 : i32
    return %arg0, %c0_i32 : i32, i32
  }
  func.func @transform_5(%arg0: i32) -> (i32, i32) {
    %c0_i32 = arith.constant 0 : i32
    %c0_i32_0 = arith.constant 0 : i32
    return %arg0, %c0_i32 : i32, i32
  }
  func.func @transform_6(%arg0: i32) -> (i32, i32) {
    %c0_i32 = arith.constant 0 : i32
    %c0_i32_0 = arith.constant 0 : i32
    %c0_i32_1 = arith.constant 0 : i32
    return %c0_i32, %c0_i32_0 : i32, i32
  }
  func.func @transform_7(%arg0: i32) -> (i32, i32) {
    %c0_i32 = arith.constant 0 : i32
    %c0_i32_0 = arith.constant 0 : i32
    %c0_i32_1 = arith.constant 0 : i32
    return %c0_i32, %c0_i32_0 : i32, i32
  }
  func.func @transform_8(%arg0: i32) -> (i32, i32) {
    %c0_i32 = arith.constant 0 : i32
    %c0_i32_0 = arith.constant 0 : i32
    %c0_i32_1 = arith.constant 0 : i32
    return %c0_i32, %c0_i32_0 : i32, i32
  }
  func.func @transform_9(%arg0: i32) -> (i32, i32) {
    %c0_i32 = arith.constant 0 : i32
    %c0_i32_0 = arith.constant 0 : i32
    %c0_i32_1 = arith.constant 0 : i32
    return %c0_i32, %c0_i32_0 : i32, i32
  }
  func.func @transform_10(%arg0: i32) -> (i32, i32) {
    %c0_i32 = arith.constant 0 : i32
    %c0_i32_0 = arith.constant 0 : i32
    %c0_i32_1 = arith.constant 0 : i32
    return %c0_i32, %c0_i32_0 : i32, i32
  }
  func.func @transform_11(%arg0: i32) -> (i32, i32) {
    %c0_i32 = arith.constant 0 : i32
    %c0_i32_0 = arith.constant 0 : i32
    %c0_i32_1 = arith.constant 0 : i32
    return %c0_i32, %c0_i32_0 : i32, i32
  }
  func.func @transform_12(%arg0: i32) -> (i32, i32) {
    %c0_i32 = arith.constant 0 : i32
    %c0_i32_0 = arith.constant 0 : i32
    %c0_i32_1 = arith.constant 0 : i32
    return %c0_i32, %c0_i32_0 : i32, i32
  }
  func.func @transform_13(%arg0: i32) -> (i32, i32) {
    %c0_i32 = arith.constant 0 : i32
    %c0_i32_0 = arith.constant 0 : i32
    %c0_i32_1 = arith.constant 0 : i32
    return %c0_i32, %c0_i32_0 : i32, i32
  }
  func.func @transform_14(%arg0: i32) -> (i32, i32) {
    %c0_i32 = arith.constant 0 : i32
    %c0_i32_0 = arith.constant 0 : i32
    return %arg0, %c0_i32 : i32, i32
  }
}

</mosaic_0001>

<sc_bundles>
// kernel: kernel.5.cloned.1.call-start
scs
__scs_entry_jumppad:
0x0: {  	(pc) =	sbr.rel $0x88, $3  }
0x1: {  	(tag) =	ssettag $0x0;
	lr =	simm.s32 $0x1  }
0x2: {  	[smem:$0x3F8A] =	sst lr;
	_ =	strace $0xD0000000  }
0x3: {  	_ = 	snop  }
0x4: {  	_ = 	snop  }
0x5: {  	_ = 	snop  }
0x6: {  	_ = 	snop  }
0x7: {  	_ = 	snop  }
__scs_overlays_trampoline_lowered:
0x8: {  	[smem:$0x3F99] =	sst s0  }
0x9: {  	[smem:$0x3F9A] =	sst s1  }
0xa: {  	[smem:$0x3F9B] =	sst s2  }
0xb: {  	[smem:$0x3F9C] =	sst s3  }
0xc: {  	[smem:$0x3F9D] =	sst s4  }
0xd: {  	[smem:$0x3F9E] =	sst s5  }
0xe: {  	[smem:$0x3F9F] =	sst s6  }
0xf: {  	[smem:$0x3FA0] =	sst s7  }
0x10: {  	[smem:$0x3FA1] =	sst s8  }
0x11: {  	[smem:$0x3FA2] =	sst s9;
	s0 =	simm.s32 @!p0 $0x0  }
0x12: {  	s1 =	sld [smem:$0x3F88];
	s0 =	simm.s32 @p0 $0x1  }
0x13: {  	[smem:$0x3FA3] =	sst s0;
	s0 =	simm.s32 @!p1 $0x0  }
0x14: {  	s2 =	sld [smem:$0x3F87];
	s0 =	simm.s32 @p1 $0x1  }
0x15: {  	[smem:$0x3FA4] =	sst s0;
	s0 =	simm.s32 @!p2 $0x0  }
0x16: {  	s3 =	sld [smem:$0x3FDB];
	s0 =	simm.s32 @p2 $0x1  }
0x17: {  	s4 =	simm.s32 $0x1BF5;
	[smem:$0x3FA6] =	sst s0  }
0x18: {  	s0 =	sld [smem:$0x3F89];
	_ =	swait.ge [sflag:s4], $0x0  }
0x19: {  	s7 =	sld [smem:$0x3F8A]  }
0x1a: {  	s8 =	sadd.s32 $0xFFFFE003, lr  }
0x1b: {  	s9 =	sadd.s32 $0xFFFFFEF7, lr;
	s5 =	simm.s32 $0xFFFFFFFF;
	p2 =	slt.u32 s8, $0xFFFFF086  }
0x1c: {  	p1 =	slt.u32 s9, $0xF7A;
	s5 =	simm.s32 @!p2 $0x0  }
0x1d: {  	s5 =	simm.s32 @p1 $0x1;
	p0 =	seq.s32 s7, s2  }
0x1e: {  	s7 =	smul.u32 @!p0 $0xF7A, s2;
	p2 =	seq.s32 @!p0 s5, $0x0  }
0x1f: {  	s9 =	smul.u32 $0xF7A, s1;
	s8 =	simm.s32 @!p0 $0x1BF5;
	p2 =	por !p2, p0  }
0x20: {  	[sflag:s8] =	ssyncset.s32 @!p0 $0xFFFFF086;
	s6 =	sadd.s32 @!p0 s3, s7;
	s7 =	simm.s32 @!p0 $0x108  }
0x21: {  	s3 =	sadd.s32 s3, s9;
	s6 =	sadd.s32 @!p0 $0x88, s6;
	s7 =	simm.s32 @p2 $0x1082  }
0x22: {  	[simem:s7], [sflag:s8] =	dma.local @!p0 [hbm:s6], $0xF7A  }
0x23: {  	s9 =	sor.u32 $0xD0000000, s2;
	s6 =	simm.s32 $0x108;
	_ =	swait.ge @!p0 [sflag:s8], $0x0  }
0x24: {  	s3 =	sadd.s32 $0x88, s3;
	s6 =	simm.s32 @!p1 $0x1082;
	[sflag:s4] =	ssyncset.s32 $0xFFFFF086  }
0x25: {  	[simem:s6], [sflag:s4] =	dma.local [hbm:s3], $0xF7A  }
0x26: {  	[smem:$0x3F8A] =	sst s1;
	(tag) =	ssettag s2;
	_ =	strace s9  }
0x27: {  	s1 =	sld [smem:$0x3F9A]  }
0x28: {  	s2 =	sld [smem:$0x3F9B]  }
0x29: {  	s4 =	sld [smem:$0x3F9D]  }
0x2a: {  	p0 =	seq.s32 s5, $0x0;
	s5 =	sld [smem:$0x3F9E]  }
0x2b: {  	s6 =	sld [smem:$0x3F9F]  }
0x2c: {  	s7 =	sld [smem:$0x3FA0]  }
0x2d: {  	s3 =	simm.s32 $0x108;
	s8 =	sld [smem:$0x3FA1]  }
0x2e: {  	s3 =	simm.s32 @!p0 $0x1082;
	s9 =	sld [smem:$0x3FA2]  }
0x2f: {  	lr =	sadd.s32 s0, s3;
	s0 =	sld [smem:$0x3F99]  }
0x30: {  	s3 =	sld [smem:$0x3F9C]  }
0x31: {  	[smem:$0x3FA5] =	sst s10  }
0x32: {  	s10 =	sld [smem:$0x3FA3];
	_ =	sdelay $0x3  }
0x33: {  	p0 =	seq.s32 s10, $0x1;
	s10 =	sld [smem:$0x3FA5];
	_ =	sdelay $0x3  }
0x34: {  	[smem:$0x3FA5] =	sst s10  }
0x35: {  	s10 =	sld [smem:$0x3FA4];
	_ =	sdelay $0x3  }
0x36: {  	p1 =	seq.s32 s10, $0x1;
	s10 =	sld [smem:$0x3FA5];
	_ =	sdelay $0x3  }
0x37: {  	[smem:$0x3FA5] =	sst s10  }
0x38: {  	s10 =	sld [smem:$0x3FA6]  }
0x39: {  	_ = 	snop;
	(pc) =	sbr.ind lr, $3  }
0x3a: {  	_ = 	snop  }
0x3b: {  	_ = 	snop  }
0x3c: {  	p2 =	seq.s32 s10, $0x1;
	s10 =	sld [smem:$0x3FA5]  }
0x3d: {  	_ =	shalt  }
0x3e: {  	_ =	shalt  }
0x3f: {  	_ =	shalt  }
0x40: {  	_ =	shalt  }
0x41: {  	_ =	shalt  }
0x42: {  	_ =	shalt  }
0x43: {  	_ =	shalt  }
0x44: {  	_ =	shalt  }
0x45: {  	_ =	shalt  }
0x46: {  	_ =	shalt  }
0x47: {  	_ =	shalt  }
0x48: {  	_ =	shalt  }
0x49: {  	_ =	shalt  }
0x4a: {  	_ =	shalt  }
0x4b: {  	_ =	shalt  }
0x4c: {  	_ =	shalt  }
0x4d: {  	_ =	shalt  }
0x4e: {  	_ =	shalt  }
0x4f: {  	_ =	shalt  }
0x50: {  	_ =	shalt  }
0x51: {  	_ =	shalt  }
0x52: {  	_ =	shalt  }
0x53: {  	_ =	shalt  }
0x54: {  	_ =	shalt  }
0x55: {  	_ =	shalt  }
0x56: {  	_ =	shalt  }
0x57: {  	_ =	shalt  }
0x58: {  	_ =	shalt  }
0x59: {  	_ =	shalt  }
0x5a: {  	_ =	shalt  }
0x5b: {  	_ =	shalt  }
0x5c: {  	_ =	shalt  }
0x5d: {  	_ =	shalt  }
0x5e: {  	_ =	shalt  }
0x5f: {  	_ =	shalt  }
0x60: {  	_ =	shalt  }
0x61: {  	_ =	shalt  }
0x62: {  	_ =	shalt  }
0x63: {  	_ =	shalt  }
0x64: {  	_ =	shalt  }
0x65: {  	_ =	shalt  }
0x66: {  	_ =	shalt  }
0x67: {  	_ =	shalt  }
0x68: {  	_ =	shalt  }
0x69: {  	_ =	shalt  }
0x6a: {  	_ =	shalt  }
0x6b: {  	_ =	shalt  }
0x6c: {  	_ =	shalt  }
0x6d: {  	_ =	shalt  }
0x6e: {  	_ =	shalt  }
0x6f: {  	_ =	shalt  }
0x70: {  	_ =	shalt  }
0x71: {  	_ =	shalt  }
0x72: {  	_ =	shalt  }
0x73: {  	_ =	shalt  }
0x74: {  	_ =	shalt  }
0x75: {  	_ =	shalt  }
0x76: {  	_ =	shalt  }
0x77: {  	_ =	shalt  }
0x78: {  	_ =	shalt  }
0x79: {  	_ =	shalt  }
0x7a: {  	_ =	shalt  }
0x7b: {  	_ =	shalt  }
0x7c: {  	_ =	shalt  }
0x7d: {  	_ =	shalt  }
0x7e: {  	_ =	shalt  }
0x7f: {  	_ =	shalt  }
0x80: {  	_ =	shalt  }
0x81: {  	_ =	shalt  }
0x82: {  	_ =	shalt  }
0x83: {  	_ =	shalt  }
0x84: {  	_ =	shalt  }
0x85: {  	_ =	shalt  }
0x86: {  	_ =	shalt  }
0x87: {  	_ =	shalt  }
.Lfunc_end0:
.L_simem_size_0:
called_computation_lowered:
.L_overlay_start_0:
0x88: {  	s2 =	sld [smem:$0x3FD9]  }
0x89: {  	s3 =	sld [smem:$0x3FFE];
	_ =	sdelay $0x1  }
0x8a: {  	s1 =	srdreg.scid  }
0x8b: {  	s0 =	sand.u32 $0x1, s1  }
0x8c: {  	s14 =	sshll.u32 s0, $0xA;
	s2 =	sadd.s32 s3, s2  }
0x8d: {  	s2 =	sadd.s32 s2, s14  }
0x8e: {  	[smem:$0x3FB1] =	sst s2  }
0x8f: {  	_ = 	snop  }
0x90: {  	s2 =	sld [smem:$0x3FD0];
	_ =	sdelay $0x2  }
0x91: {  	s15 =	simm.s32 $0xA;
	s4 =	simm.s32 $0x10  }
0x92: {  	[smem:s4], [sflag:s15] =	dma.local [hbm:s2], $0x1  }
0x93: {  	_ =	swait.eq [sflag:s15], $0x1  }
0x94: {  	[sflag:s15] =	ssyncset.done $0x0  }
0x95: {  	s16 =	sld [smem:$0x10];
	[sflag:s15] =	ssyncadd.s32 $0xFFFFFFFF  }
0x96: {  	s17 =	sld [smem:$0x11];
	(tm) =	ssettm $0x1  }
0x97: {  	s18 =	sld [smem:$0x3FFB];
	_ =	sdelay $0x3  }
0x98: {  	_ =	strace s18  }
0x99: {  	s4 =	sld [smem:$0x3FFC];
	_ =	sdelay $0x3  }
0x9a: {  	_ =	strace s4  }
0x9b: {  	s4 =	sld [smem:$0x3FFD];
	_ =	sdelay $0x3  }
0x9c: {  	_ =	strace s4  }
0x9d: {  	_ =	strace $0x8FFFFFFF  }
0x9e: {  	s19 =	sld [smem:$0x3FDB];
	_ =	sdelay $0x1  }
0x9f: {  	s5 =	simm.s32 $_scs_section_size  }
0xa0: {  	s6 =	simm.s32 $_size__tile_overlayer_lowered;
	s7 =	simm.s32 $_tile_overlayer_lowered  }
0xa1: {  	s22 =	simm.s32 $0x1BFF;
	s21 =	sshll.u32 s7, $0x1;
	s4 =	sadd.s32 s5, s19  }
0xa2: {  	s8 =	simm.s32 $0x0;
	s20 =	sshll.u32 s6, $0x1;
	s6 =	sadd.s32 s21, s4  }
0xa3: {  	[timem:s8], [sflag:s22] =	dma.local [hbm:s6], s20  }
0xa4: {  	_ =	swait.ge [sflag:s22], s20  }
0xa5: {  	s5 =	ssub.s32 $0x0, s20;
	[sflag:s22] =	ssyncset.done $0x0  }
0xa6: {  	[sflag:s22] =	ssyncadd.s32 s5;
	_ =	sdelay $0x1  }
0xa7: {  	s23 =	simm.s32 $0x1B8B  }
0xa8: {  	_ =	swait.ge [sflag:s23], $0x1  }
0xa9: {  	[sflag:s23] =	ssyncset.done $0x0  }
0xaa: {  	s25 =	simm.s32 $0x1B8E;
	s24 =	sld [smem:$0x3FFE];
	[sflag:s23] =	ssyncadd.s32 $0xFFFFFFFF  }
0xab: {  	s26 =	simm.s32 $execute0_lowered;
	[smem:$0x3FD2] =	sst s25  }
0xac: {  	s6 =	sshll.u32 s26, $0x1;
	_ =	strace $0x80000046;
	[dreg:$0x1] =	wrdreg $0xFFFFFFFF  }
0xad: {  	s28 =	simm.s32 $_size_execute0_lowered;
	s4 =	sadd.s32 s4, s6;
	[dreg:$0x0] =	wrdreg $0x0  }
0xae: {  	s6 =	sshll.u32 s28, $0x1;
	[dreg:$0x2] =	wrdreg s4  }
0xaf: {  	[dreg:$0x3] =	wrdreg s6  }
0xb0: {  	[dreg:$0x4] =	wrdreg $0xC0  }
0xb1: {  	_ =	task [dreg:s8], $0x5FFFF  }
0xb2: {  	[dreg:$0x1] =	wrdreg $0xFFFFFFFF  }
0xb3: {  	[dreg:$0x0] =	wrdreg $0x60  }
0xb4: {  	[dreg:$0x2] =	wrdreg s16  }
0xb5: {  	[dreg:$0x3] =	wrdreg s24  }
0xb6: {  	[dreg:$0x4] =	wrdreg s17  }
0xb7: {  	[dreg:$0x5] =	wrdreg $0xA3800  }
0xb8: {  	[dreg:$0x6] =	wrdreg $0xA2800  }
0xb9: {  	[dreg:$0x7] =	wrdreg $0x9  }
0xba: {  	_ =	task.clear_ibuf [dreg:s8], $0x8FFFF;
	_ =	strace $0x90000046  }
0xbb: {  	s29 =	simm.s32 $0x9;
	_ =	strace $0x80000048  }
0xbc: {  	_ =	swait.ge [sflag:s29], $0x1  }
0xbd: {  	[sflag:s29] =	ssyncadd.s32 $0xFFFFFFFF  }
0xbe: {  	_ =	strace $0x90000048  }
0xbf: {  	_ =	sfence  }
0xc0: {  	s30 =	sld [smem:$0x0];
	_ =	sdelay $0x2  }
0xc1: {  	s31 =	sshll.u32 s1, $0xD;
	s1 =	sshrl.u32 s1, $0x2  }
0xc2: {  	s3 =	sand.u32 $0x4000, s31;
	s1 =	sadd.s32 s1, s30  }
0xc3: {  	s0 =	sor.u32 s3, s0;
	s1 =	sshll.u32 s1, $0x11  }
0xc4: {  	s0 =	sor.u32 s1, s0  }
0xc5: {  	s0 =	sadd.s32 $0x8F2B, s0  }
0xc6: {  	[sflag:s0] =	ssyncadd.remote.s32 $0x1  }
0xc7: {  	_ =	sfence.sel $0xFFFF  }
0xc8: {  	[dreg:$0x0] =	wrdreg $0xFFFFFFFF;
	(pc) =	sbr.abs _section_cstart, $3  }
0xc9: {  	[dreg:$0x1] =	wrdreg $0xFFFFFFFF  }
0xca: {  	_ =	task.clear_ibuf [dreg:s8], $0x2FFFF;
	_ =	strace $0x9FFFFFFF  }
0xcb: {  	(tm) =	ssettm $0x7FFFFFFF  }
tec
execute0_lowered:
.L_overlay_start_1:
0x0: {  	(tag) =	ssettag $0x1  }
0x1: {  	s1 =	rddreg [dreg:$0x0]  }
0x2: {  	s10 =	rddreg [dreg:$0x1]  }
0x3: {  	s0 =	rddreg [dreg:$0x2]  }
0x4: {  	s2 =	rddreg [dreg:$0x3]  }
0x5: {  	s3 =	rddreg [dreg:$0x4];
	s5 =	simm.s32 $0x0;
	s4 =	srdreg.scid  }
0x6: {  	s28 =	simm.s32 $0x5;
	s29 =	simm.s32 $0x9280;
	[smem:$0x7FF] =	sst s5  }
0x7: {  	s11 =	sand.u32 $0x1, s4;
	s4 =	stileid.u32;
	s6 =	sadd.s32 $0x4FA200, s10  }
0x8: {  	v0 =	vimm.s32 $0xEFCDAB89;
	s5 =	sadd.s32 $0x4600, s10;
	s7 =	sadd.s32 $0x4F0400, s10;
	s12 =	smul.u32 $0x14000, s11  }
0x9: {  	vm0 =	vcmask $0xB08;
	s8 =	sadd.s32 $0x4E6600, s10;
	s9 =	sadd.s32 $0x2B800, s10;
	s13 =	smul.u32 $0x1400, s4  }
0xa: {  	v1 =	vimm.s32 $0x67452301;
	s14 =	sadd.s32 $0x79C00, s10;
	_ =	strace $0x80000047;
	s24 =	smul.u32 $0x55000, s4  }
0xb: {  	vm1 =	vcmask $0x300;
	v2 =	vimm.s32 $0xDCFE98BA;
	v3 =	vimm.s32 $0x54761032;
	[dreg:$0x6] =	wrdreg s14;
	s23 =	ssub.s32 $0x2, s11;
	s17 =	smul.u32 $0x140000, s11  }
0xc: {  	vm2 =	vcmask $0x700;
	v4 =	vimm.s32 $0xFEDCBA98;
	v5 =	vimm.s32 $0x76543210;
	s15 =	sshll.u32 s11, $0x4;
	s16 =	sshll.u32 s4, $0x6;
	s18 =	smul.u32 $0x14000, s4  }
0xd: {  	vm3 =	vcmask $0xF00;
	v6 =	vimm.s32 $0x0;
	v7 =	vimm.s32 $0x1;
	s22 =	smul.u32 $0x5000, s4;
	p0 =	sne.s32 s4, $0x0;
	s25 =	sshrl.u32 s23, $0x1  }
0xe: {  	v8 =	vimm.s32 $0x2;
	v9 =	vimm.s32 $0x4;
	v10 =	vimm.s32 $0x5;
	s11 =	sor.u32 $0x1C05, s16;
	s12 =	sadd.s32 s13, s12;
	s13 =	sor.u32 s4, s15  }
0xf: {  	v11 =	vimm.s32 $0x6;
	v12 =	vimm.s32 $0x7;
	v0 =	vunpack.c.l.s4.s8 v0;
	s14 =	sshrl.u32 s24, $0x2;
	s20 =	sadd.s32 s18, s17;
	s18 =	sxor.u32 $0x2710, s15  }
0x10: {  	vm0 =	vmor vm1, vm0;
	vm1 =	vcmask $0x1310;
	v1 =	vunpack.c.l.s4.s8 v1;
	s24 =	sshrl.u32 s22, $0x2;
	s15 =	simm.s32 $0x200;
	[dreg:$0x7] =	wrdreg s11  }
0x11: {  	v2 =	vunpack.c.l.s4.s8 v2;
	v3 =	vunpack.c.l.s4.s8 v3;
	v4 =	vunpack.c.l.s4.s8 v4;
	s12 =	sshrl.u32 s12, $0x3;
	s14 =	sadd.s32 s14, s2;
	s26 =	sshll.u32 s13, $0x2  }
0x12: {  	v5 =	vunpack.c.l.s4.s8 v5;
	vm0 =	vmor vm0, vm1;
	vm1 =	vcmask $0x1B18;
	s21 =	sshll.u32 s13, $0x9;
	s22 =	sor.u32 $0x60, s13;
	s10 =	sadd.s32 s12, s10  }
0x13: {  	vm0 =	vmor vm0, vm1;
	vm1 =	vcmask $0x2320;
	v0 =	vunpack.c.0.s8.s32 v0;
	s12 =	ssub.s32 s23, s25;
	s19 =	sadd.s32 s7, s26;
	s30 =	sadd.s32 s8, s26  }
0x14: {  	v1 =	vunpack.c.0.s8.s32 v1;
	v2 =	vunpack.c.0.s8.s32 v2;
	v3 =	vunpack.c.0.s8.s32 v3;
	s16 =	sor.u32 $0x80, s26;
	s17 =	sadd.s32 s6, s21;
	[dreg:$0x8] =	wrdreg s19  }
0x15: {  	v4 =	vunpack.c.0.s8.s32 v4;
	vm0 =	vmor vm0, vm1;
	vm1 =	vcmask $0x2B28;
	s23 =	smul.u32 $0x50000, s4;
	s25 =	sadd.s32 s24, s2;
	[dreg:$0x9] =	wrdreg s30  }
0x16: {  	v0 =	vcombine.low v1, v0;
	vm0 =	vmor vm0, vm1;
	vm1 =	vcmask $0x3330;
	s31 =	sadd.s32 s7, s16;
	s16 =	sadd.s32 s8, s16;
	[dreg:$0xc] =	wrdreg s17  }
0x17: {  	v1 =	vcombine.low v3, v2;
	v2 =	vimm.s32 $0xBA98FEDC;
	v3 =	vimm.s32 $0x32107654;
	s19 =	sor.u32 $0x40, s13;
	s10 =	sadd.s32 $0x7C800, s10;
	[dreg:$0xa] =	wrdreg s31  }
0x18: {  	vm0 =	vmor vm0, vm1;
	vm1 =	vcmask $0x3B38;
	v2 =	vunpack.c.l.s4.s8 v2;
	s4 =	sadd.s32 $0x140000, s25;
	s26 =	smax.u32 s12, $0x1;
	[dreg:$0xb] =	wrdreg s16  }
0x19: {  	v3 =	vunpack.c.l.s4.s8 v3;
	vm0 =	vmor vm0, vm1;
	vm1 =	vcmask $0x1710;
	s30 =	sshrl.u32 s14, $0x3;
	s12 =	simm.s32 $0x1;
	[dreg:$0xe] =	wrdreg s10  }
0x1a: {  	s14 =	simm.s32 $0x40;
	s16 =	sshrl.u32 s20, $0x3;
	vm1 =	vmor vm2, vm1;
	vm2 =	vcmask $0x2720;
	[dreg:$0xf] =	wrdreg s26;
	v2 =	vunpack.c.0.s8.s32 v2  }
.Ltmp0:
0x1b: {  	v3 =	vunpack.c.0.s8.s32 v3;
	[dreg:$0x10] =	wrdreg s30;
	s0 =	sadd.s32 s0, s16;
	vm1 =	vmor vm1, vm2;
	vm2 =	vcmask $0x3730;
	(pc) =	sbr.rel .LBB2_1-.Ltmp0, $4  }
0x1c: {  	v4 =	vand.u32 $0xF, v4;
	v0 =	vand.u32 $0xF, v0;
	s17 =	simm.s32 $0x2;
	[dreg:$0xd] =	wrdreg s0;
	s0 =	sshrl.u32 s23, $0x2;
	vm1 =	vmor vm1, vm2  }
0x1d: {  	s31 =	sshrl.u32 s4, $0x3;
	s20 =	simm.s32 $0x0;
	v2 =	vcombine.low v3, v2;
	v3 =	vunpack.c.0.s8.s32 v5;
	vm2 =	vcmask $0x2F20;
	s0 =	sadd.s32 s0, s2  }
0x1e: {  	v1 =	vand.u32 $0xF, v1;
	[dreg:$0x12] =	wrdreg s31;
	s16 =	simm.s32 $0x6;
	v5 =	vlaneseq.u32;
	vm2 =	vmor vm3, vm2;
	s0 =	sshrl.u32 s0, $0x3  }
0x1f: {  	s23 =	sor.u32 $0x20, s13;
	s13 =	simm.s32 $0x8280;
	v2 =	vand.u32 $0xF, v2;
	v3 =	vcombine.low v4, v3;
	v4 =	vimm.s32 $0x3;
	[dreg:$0x11] =	wrdreg s0  }
.LBB2_12:
0x20: {  	[bflag:$0x0] =	sbarrier.arrive $0xFFFF  }
0x21: {  	s11 =	rddreg [dreg:$0x7]  }
0x22: {  	s0 =	rddreg [dreg:$0xd]  }
0x23: {  	s4 =	rddreg [dreg:$0x11]  }
0x24: {  	[hbm:s0], [sflag:s11] =	dma.local [spmem:s4], $0x2800  }
0x25: {  	_ =	swait.ge [sflag:s28], $0x2800  }
0x26: {  	[sflag:s28] =	ssyncset.done $0x0;
	s26 =	rddreg [dreg:$0xe]  }
0x27: {  	s30 =	rddreg [dreg:$0x12];
	[sflag:s28] =	ssyncadd.s32 $0xFFFFD800  }
0x28: {  	[hbm:s26], [sflag:s11] =	dma.local [spmem:s30], $0x280  }
0x29: {  	_ =	swait.ge [sflag:s28], $0x280  }
0x2a: {  	s20 =	sadd.s32 $0x1, s20;
	s31 =	rddreg [dreg:$0xf]  }
0x2b: {  	p1 =	sne.s32 s20, s31  }
.Ltmp1:
0x2c: {  	_ = 	snop;
	(pc) =	sbr.rel @!p1 .LBB2_13-.Ltmp1, $3  }
0x2d: {  	_ =	sdelay $0x1  }
0x2e: {  	[sflag:s28] =	ssyncset.done $0x0  }
0x2f: {  	[sflag:s28] =	ssyncadd.s32 $0xFFFFFD80  }
.LBB2_1:
0x30: {  	s4 =	rddreg [dreg:$0x6]  }
0x31: {  	s0 =	rddreg [dreg:$0x10]  }
0x32: {  	[spmem:s0], [sflag:s11] =	dma.local [hbm:s4], $0x2A80  }
0x33: {  	_ =	swait.ge [sflag:s28], $0x2A80  }
0x34: {  	[sflag:s28] =	ssyncset.done $0x0  }
0x35: {  	s0 =	sshrl.u32 @!p0 s3, $0x3;
	[sflag:s28] =	ssyncadd.s32 $0xFFFFD580  }
0x36: {  	[spmem:s0], [sflag:s11] =	dma.local @!p0 [hbm:s4], $0x200  }
0x37: {  	s0 =	simm.s32 @!p0 $0x5  }
0x38: {  	_ =	swait.ge @!p0 [sflag:s0], $0x200  }
0x39: {  	[sflag:s0] =	ssyncset.done @!p0 $0x0  }
0x3a: {  	[sflag:s0] =	ssyncadd.s32 @!p0 $0xFFFFFE00;
	s0 =	simm.s32 $0x0  }
0x3b: {  	[tilespmem:s29], [sflag:$0x5] =	stream.linear.gather [hbm4b:s4+s0], $0x1000, $0x38;
	[tilespmem:$0x1F780] =	vst v63  }
0x3c: {  	_ =	swait.ge [sflag:s28], $0x1000  }
0x3d: {  	[sflag:s28] =	ssyncset.done $0x0  }
0x3e: {  	[sflag:s28] =	ssyncadd.s32 $0xFFFFF000  }
0x3f: {  	[bflag:$0x0] =	sbarrier.arrive $0xFFFF  }
0x40: {  	s21 =	rddreg [dreg:$0x8]  }
0x41: {  	[tilespmem:s0], [sflag:$0x3] =	stream.linear.gather [hbm4b:s21+s0], $0x20, $0x38;
	[tilespmem:$0x1F780] =	vst v63  }
0x42: {  	s10 =	simm.s32 $0x80;
	s24 =	rddreg [dreg:$0x9]  }
0x43: {  	[tilespmem:s10], [sflag:$0x3] =	stream.linear.gather [hbm4b:s24+s0], $0x20, $0x38;
	[tilespmem:$0x1F780] =	vst v63  }
0x44: {  	s26 =	simm.s32 $0x100;
	s25 =	rddreg [dreg:$0xa]  }
0x45: {  	[tilespmem:s26], [sflag:$0x4] =	stream.linear.gather [hbm4b:s25+s0], $0x20, $0x38;
	[tilespmem:$0x1F780] =	vst v63  }
0x46: {  	s31 =	simm.s32 $0x180;
	s11 =	simm.s32 $0x3;
	s30 =	rddreg [dreg:$0xb]  }
0x47: {  	[tilespmem:s31], [sflag:$0x4] =	stream.linear.gather [hbm4b:s30+s0], $0x20, $0x38;
	[tilespmem:$0x1F780] =	vst v63  }
0x48: {  	_ =	swait.ge [sflag:s11], $0x20  }
0x49: {  	[sflag:s11] =	ssyncset.done $0x0  }
0x4a: {  	[sflag:s11] =	ssyncadd.s32 $0xFFFFFFE0  }
0x4b: {  	_ =	swait.ge [sflag:s11], $0x20  }
0x4c: {  	[sflag:s11] =	ssyncset.done $0x0  }
0x4d: {  	s21 =	simm.s32 $0x20;
	s24 =	simm.s32 $0x280;
	[sflag:s11] =	ssyncadd.s32 $0xFFFFFFE0  }
0x4e: {  	[tilespmem:s24], [sflag:$0x1] =	stream.indirect.gather [hbm4b:s1+s21], $0x80, s10, s21, $0xb8;
	[tilespmem:$0x1F780] =	vst v63  }
0x4f: {  	s25 =	simm.s32 $0x1280  }
0x50: {  	[tilespmem:s25], [sflag:$0x1] =	stream.indirect.gather [hbm4b:s5+s21], $0x80, s0, s21, $0xb8;
	[tilespmem:$0x1F780] =	vst v63  }
.Ltmp2:
0x51: {  	_ = 	snop;
	(pc) =	sbr.rel .LBB2_2-.Ltmp2, $4  }
0x52: {  	s26 =	simm.s32 $0x2280  }
0x53: {  	[tilespmem:s26], [sflag:$0x1] =	stream.indirect.gather [hbm4b:s9+s21], $0x80, s0, s21, $0xb8;
	[tilespmem:$0x1F780] =	vst v63  }
0x54: {  	s31 =	simm.s32 $0x3280;
	s30 =	rddreg [dreg:$0xc];
	s21 =	simm.s32 $0x0  }
0x55: {  	[tilespmem:s31], [sflag:$0x1] =	stream.linear.gather [hbm4b:s30+s0], $0x1000, $0x38;
	[tilespmem:$0x1F780] =	vst v63  }
.LBB2_10:
0x56: {  	v23 =	vadd.f32 v26, v23;
	v24 =	vadd.f32 v27, v24;
	_ =	sdelay $0x1  }
0x57: {  	v22 =	vsel vm1, v25, v22;
	v23 =	vsel vm1, v23, v24  }
0x58: {  	v45 =	vperm.xlane v22, v2;
	v46 =	vperm.xlane v23, v2;
	_ =	sdelay $0x1  }
0x59: {  	v22 =	vadd.f32 v45, v22;
	v23 =	vadd.f32 v46, v23;
	_ =	sdelay $0x1  }
0x5a: {  	v22 =	vsel vm2, v22, v23  }
0x5b: {  	v48 =	vperm.xlane v22, v3;
	_ =	sdelay $0x1  }
0x5c: {  	v47 =	vld [tilespmem:s4+$0x200];
	v22 =	vadd.f32 v22, v48;
	_ =	sdelay $0x1  }
0x5d: {  	v22 =	vmul.f32 $1.442695020e+00, v22;
	_ =	sdelay $0x1  }
0x5e: {  	(erf) = vpow2.f32 v22  }
0x5f: {  	v21 =	vperm.xlane v47, v21;
	_ =	sdelay $0x1  }
0x60: {  	v21 =	vshll.u32 v21, $0x3  }
0x61: {  	v52 =	vld [tilespmem:s24+$0x62B0];
	v21 =	vand.u32 $0x78, v21  }
0x62: {  	v53 =	vld [tilespmem:s24+$0x62C0];
	v21 =	vadd.s32 v5, v21  }
0x63: {  	s0 =	sshll.u32 s25, $0x7;
	v54 =	vld [tilespmem:s24+$0x62D0];
	v51 =	vand.u32 $0x80, v21  }
0x64: {  	v55 =	vld [tilespmem:s24+$0x62E0];
	v21 =	vand.u32 $0x7F, v21;
	v24 =	vadd.s32 s0, v51  }
0x65: {  	v21 =	vor.u32 v21, v24  }
0x66: {  	v50 =	vld [tilespmem:s24+$0x6280];
	v29 =	vpop (erf)  }
0x67: {  	v30 =	vld [tilespmem:s24+$0x6290];
	v16 =	vadd.f32 v52, v16;
	v56 =	vperm.xlane v29, v4  }
0x68: {  	v49 =	vld [tilespmem:s24+$0x62A0];
	v20 =	vadd.f32 v53, v20;
	v18 =	vadd.f32 v54, v18;
	v57 =	vperm.xlane v29, v9  }
0x69: {  	v28 =	vld [tilespmem:s24+$0x62F0];
	v19 =	vadd.f32 v55, v19;
	v58 =	vperm.xlane v29, v10;
	v16 =	vmul.f32 v56, v16  }
0x6a: {  	[tilespmem:v21+s13+$0x0] =	vst.idx.add.f32.msk $0xff, v29;
	v59 =	vperm.xlane v29, v11;
	v20 =	vmul.f32 v57, v20  }
0x6b: {  	v15 =	vadd.f32 v50, v15;
	v61 =	vperm.xlane v29, v6;
	v18 =	vmul.f32 v58, v18;
	[tilespmem:s24+$0x82B0] =	vst v16  }
0x6c: {  	v13 =	vadd.f32 v30, v13;
	v62 =	vperm.xlane v29, v7;
	v19 =	vmul.f32 v59, v19;
	[tilespmem:s24+$0x82C0] =	vst v20  }
0x6d: {  	v14 =	vadd.f32 v49, v14;
	v63 =	vperm.xlane v29, v8;
	v15 =	vmul.f32 v61, v15;
	[tilespmem:s24+$0x82D0] =	vst v18  }
0x6e: {  	v17 =	vadd.f32 v28, v17;
	v60 =	vperm.xlane v29, v12;
	v13 =	vmul.f32 v62, v13;
	[tilespmem:s24+$0x82E0] =	vst v19  }
0x6f: {  	v14 =	vmul.f32 v63, v14;
	[tilespmem:s24+$0x8280] =	vst v15  }
0x70: {  	v16 =	vmul.f32 v60, v17;
	[tilespmem:s24+$0x8290] =	vst v13  }
0x71: {  	[tilespmem:s24+$0x82A0] =	vst v14  }
0x72: {  	[tilespmem:s24+$0x82F0] =	vst v16  }
0x73: {  	[spmem:s2] =	stream.indirect.scatter.add.f32 [tilespmem:s13], [sflag:$0x6], $0x80, s15, s14, $0xb8;
	[tilespmem:$0x1F780] =	vst v63  }
0x74: {  	_ =	swait.ge [sflag:s16], $0x2000  }
0x75: {  	[sflag:s16] =	ssyncset.done $0x0  }
0x76: {  	[sflag:s16] =	ssyncadd.s32 $0xFFFFE000  }
0x77: {  	[tilespmem:s29], [sflag:$0x5] =	stream.linear.gather [spmem:s3], $0x1000, $0x38;
	[tilespmem:$0x1F780] =	vst v63  }
0x78: {  	_ =	swait.ge [sflag:s28], $0x1000  }
0x79: {  	[sflag:s28] =	ssyncset.done $0x0  }
0x7a: {  	[sflag:s28] =	ssyncadd.s32 $0xFFFFF000  }
.LBB2_11:
0x7b: {  	s21 =	sadd.s32 $0x1, s21  }
0x7c: {  	p1 =	sne.s32 s21, $0x9D  }
.Ltmp3:
0x7d: {  	_ = 	snop;
	(pc) =	sbr.rel @!p1 .LBB2_12-.Ltmp3, $1  }
0x7e: {  	_ =	sdelay $0x3  }
.LBB2_2:
0x7f: {  	s30 =	sshll.u32 s21, $0x6  }
0x80: {  	s0 =	sor.u32 s23, s30  }
0x81: {  	p1 =	sgt.u32 s0, $0x270F  }
0x82: {  	s4 =	simm.s32 @!p1 $0x4  }
0x83: {  	_ =	swait.ge @!p1 [sflag:s4], $0x20  }
0x84: {  	[sflag:s4] =	ssyncset.done @!p1 $0x0  }
0x85: {  	[sflag:s4] =	ssyncadd.s32 @!p1 $0xFFFFFFE0  }
0x86: {  	_ =	swait.ge @!p1 [sflag:s4], $0x20  }
0x87: {  	s10 =	simm.s32 @!p1 $0x180;
	[sflag:s4] =	ssyncset.done @!p1 $0x0  }
0x88: {  	s24 =	simm.s32 @!p1 $0x4280;
	[sflag:s4] =	ssyncadd.s32 @!p1 $0xFFFFFFE0;
	s4 =	simm.s32 @!p1 $0x20  }
0x89: {  	[tilespmem:s24], [sflag:$0x2] =	stream.indirect.gather @!p1 [hbm4b:s1+s4], $0x80, s10, s4, $0xb8;
	[tilespmem:$0x1F780] =	vst v63  }
0x8a: {  	p2 =	slt.u32 s30, s18;
	s10 =	simm.s32 @!p1 $0x100;
	s24 =	simm.s32 @!p1 $0x5280  }
0x8b: {  	[tilespmem:s24], [sflag:$0x2] =	stream.indirect.gather @!p1 [hbm4b:s5+s4], $0x80, s10, s4, $0xb8;
	[tilespmem:$0x1F780] =	vst v63  }
.Ltmp4:
0x8c: {  	_ = 	snop;
	(pc) =	sbr.rel @!p2 .LBB2_3-.Ltmp4, $4  }
0x8d: {  	s0 =	sshll.u32 @!p1 s0, $0x9;
	s24 =	simm.s32 @!p1 $0x6280  }
0x8e: {  	[tilespmem:s24], [sflag:$0x2] =	stream.indirect.gather @!p1 [hbm4b:s9+s4], $0x80, s10, s4, $0xb8;
	[tilespmem:$0x1F780] =	vst v63  }
0x8f: {  	s0 =	sadd.s32 @!p1 s6, s0;
	s4 =	simm.s32 @!p1 $0x0;
	s10 =	simm.s32 @!p1 $0x7280  }
0x90: {  	[tilespmem:s10], [sflag:$0x2] =	stream.linear.gather @!p1 [hbm4b:s0+s4], $0x1000, $0x38;
	[tilespmem:$0x1F780] =	vst v63  }
0x91: {  	_ =	swait.ge [sflag:s12], $0x1000  }
0x92: {  	[sflag:s12] =	ssyncset.done $0x0  }
0x93: {  	[sflag:s12] =	ssyncadd.s32 $0xFFFFF000  }
0x94: {  	_ =	swait.ge [sflag:s12], $0x1000  }
0x95: {  	[sflag:s12] =	ssyncset.done $0x0  }
0x96: {  	[sflag:s12] =	ssyncadd.s32 $0xFFFFF000  }
0x97: {  	_ =	swait.ge [sflag:s12], $0x1000  }
0x98: {  	[sflag:s12] =	ssyncset.done $0x0  }
0x99: {  	[sflag:s12] =	ssyncadd.s32 $0xFFFFF000  }
0x9a: {  	_ =	swait.ge [sflag:s12], $0x1000  }
0x9b: {  	[sflag:s12] =	ssyncset.done $0x0  }
0x9c: {  	[sflag:s12] =	ssyncadd.s32 $0xFFFFF000  }
0x9d: {  	v13 =	vld [tilespmem:$0x80];
	_ =	sdelay $0x1  }
0x9e: {  	v14 =	vld [tilespmem:$0x90];
	_ =	sdelay $0x2  }
0x9f: {  	v15 =	vshrl.u32 v13, $0x4  }
0xa0: {  	s24 =	sadd.s32 s19, s30;
	[tilespmem:$0x200] =	vst v13;
	v13 =	vadd.s32 $0x2800, v15  }
0xa1: {  	p2 =	sgt.u32 s24, $0x270F;
	[tilespmem:$0x220] =	vst v13;
	v13 =	vshrl.u32 v14, $0x4  }
0xa2: {  	s0 =	sshll.u32 @!p2 s24, $0x2;
	[tilespmem:$0x210] =	vst v14;
	v13 =	vadd.s32 $0x2800, v13  }
0xa3: {  	s10 =	simm.s32 @!p2 $0x0;
	s4 =	sadd.s32 @!p2 s7, s0;
	[tilespmem:$0x230] =	vst v13  }
0xa4: {  	[tilespmem:s10], [sflag:$0x3] =	stream.linear.gather @!p2 [hbm4b:s4+s10], $0x20, $0x38;
	[tilespmem:$0x1F780] =	vst v63  }
0xa5: {  	s25 =	simm.s32 $0x0;
	s0 =	sadd.s32 @!p2 s8, s0;
	s4 =	simm.s32 @!p2 $0x80  }
0xa6: {  	[tilespmem:s4], [sflag:$0x3] =	stream.linear.gather @!p2 [hbm4b:s0+s10], $0x20, $0x38;
	[tilespmem:$0x1F780] =	vst v63  }
0xa7: {  	v21 =	vld [tilespmem:s25+$0x2C0]  }
0xa8: {  	v22 =	vld [tilespmem:s25+$0x280]  }
0xa9: {  	v23 =	vld [tilespmem:s25+$0x290]  }
0xaa: {  	v24 =	vld [tilespmem:s25+$0x2A0]  }
0xab: {  	v25 =	vld [tilespmem:s25+$0x2D0]  }
0xac: {  	v17 =	vld [tilespmem:s25+$0x2B0]  }
0xad: {  	v19 =	vld [tilespmem:s25+$0x12B0]  }
0xae: {  	v26 =	vld [tilespmem:s25+$0x12C0]  }
0xaf: {  	v27 =	vld [tilespmem:s25+$0x12E0]  }
0xb0: {  	v16 =	vld [tilespmem:s25+$0x32B0]  }
0xb1: {  	v15 =	vld [tilespmem:s25+$0x3280]  }
0xb2: {  	v28 =	vld [tilespmem:s25+$0x12A0]  }
0xb3: {  	v14 =	vld [tilespmem:s25+$0x32A0]  }
0xb4: {  	v30 =	vld [tilespmem:s25+$0x1290]  }
0xb5: {  	v31 =	vld [tilespmem:s25+$0x12D0]  }
0xb6: {  	v32 =	vld [tilespmem:s25+$0x1280]  }
0xb7: {  	v18 =	vld [tilespmem:s25+$0x32D0]  }
0xb8: {  	v20 =	vld [tilespmem:s25+$0x32C0]  }
0xb9: {  	v13 =	vld [tilespmem:s25+$0x3290]  }
0xba: {  	v29 =	vld [tilespmem:s25+$0x12F0];
	v33 =	vadd.f32 v19, v16  }
0xbb: {  	v28 =	vadd.f32 v28, v14;
	v19 =	vld [tilespmem:s25+$0x32E0]  }
0xbc: {  	v32 =	vadd.f32 v32, v15;
	v31 =	vadd.f32 v31, v18;
	v33 =	vmul.f32 v33, v17;
	v17 =	vld [tilespmem:s25+$0x32F0]  }
0xbd: {  	v58 =	vld [tilespmem:s25+$0x2E0];
	v26 =	vadd.f32 v26, v20;
	v24 =	vmul.f32 v28, v24  }
0xbe: {  	v35 =	vld [tilespmem:s25+$0x2F0];
	v28 =	vadd.f32 v30, v13;
	v22 =	vmul.f32 v32, v22;
	v25 =	vmul.f32 v31, v25  }
0xbf: {  	v21 =	vmul.f32 v26, v21;
	v34 =	vperm.xlane v33, v0  }
0xc0: {  	v23 =	vmul.f32 v28, v23;
	v28 =	vperm.xlane v24, v0  }
0xc1: {  	v61 =	vperm.xlane v21, v0;
	v27 =	vadd.f32 v27, v19;
	v26 =	vadd.f32 v29, v17  }
0xc2: {  	v59 =	vperm.xlane v23, v0;
	v24 =	vadd.f32 v28, v24;
	v28 =	vperm.xlane v22, v0  }
0xc3: {  	v29 =	vadd.f32 v34, v33;
	v27 =	vmul.f32 v27, v58;
	v26 =	vmul.f32 v26, v35  }
0xc4: {  	v60 =	vperm.xlane v25, v0;
	v23 =	vadd.f32 v59, v23;
	v22 =	vadd.f32 v28, v22  }
0xc5: {  	v31 =	vadd.f32 v61, v21;
	v62 =	vperm.xlane v27, v0;
	v28 =	vperm.xlane v26, v0  }
0xc6: {  	v24 =	vsel vm0, v24, v29;
	v63 =	vsel vm0, v22, v23;
	v23 =	vadd.f32 v60, v25  }
0xc7: {  	s11 =	simm.s32 $0x0;
	v29 =	vperm.xlane v24, v1;
	v27 =	vadd.f32 v62, v27;
	v25 =	vadd.f32 v28, v26  }
0xc8: {  	s0 =	simm.s32 $0x0;
	v21 =	vmov s11;
	v26 =	vperm.xlane v63, v1  }
0xc9: {  	s31 =	simm.s32 $0x200;
	s26 =	sand.u32 $0x40, s0;
	v22 =	vadd.f32 v29, v24;
	v23 =	vsel vm0, v31, v23;
	v24 =	vsel vm0, v27, v25  }
0xca: {  	s10 =	simm.s32 $0x20;
	s4 =	sshrl.u32 s26, $0x2;
	s26 =	simm.s32 $0x20;
	v25 =	vadd.f32 v26, v63;
	v26 =	vperm.xlane v23, v1;
	v27 =	vperm.xlane v24, v1  }
.LBB2_5:
0xcb: {  	p2 =	sne.s32 s31, $0x3E00;
	s10 =	sadd.s32 $0x1, s10;
	s0 =	sadd.s32 $0x4, s0  }
0xcc: {  	s11 =	smov.u32 s31;
	s31 =	sadd.s32 $0x200, s31;
	v22 =	vsel vm1, v25, v22;
	v23 =	vadd.f32 v26, v23;
	v24 =	vadd.f32 v27, v24  }
0xcd: {  	v25 =	vperm.xlane v22, v2  }
0xce: {  	v23 =	vsel vm1, v23, v24  }
0xcf: {  	v22 =	vadd.f32 v25, v22;
	v24 =	vperm.xlane v23, v2;
	_ =	sdelay $0x1  }
0xd0: {  	v23 =	vadd.f32 v24, v23;
	_ =	sdelay $0x1  }
0xd1: {  	v24 =	vld [tilespmem:s4+$0x200];
	v22 =	vsel vm2, v22, v23  }
0xd2: {  	v23 =	vperm.xlane v22, v3;
	_ =	sdelay $0x1  }
0xd3: {  	v22 =	vadd.f32 v22, v23;
	_ =	sdelay $0x1  }
0xd4: {  	v21 =	vperm.xlane v24, v21;
	v22 =	vmul.f32 $1.442695020e+00, v22;
	_ =	sdelay $0x1  }
0xd5: {  	v21 =	vshll.u32 v21, $0x3;
	(erf) = vpow2.f32 v22  }
0xd6: {  	v21 =	vand.u32 $0x78, v21  }
0xd7: {  	s4 =	sshra.s32 s11, $0x2;
	v22 =	vld [tilespmem:s25+$0x22A0];
	v21 =	vadd.s32 v5, v21  }
0xd8: {  	s11 =	sshll.u32 s26, $0x7;
	s26 =	smov.u32 s10;
	v23 =	vld [tilespmem:s25+$0x2280];
	v24 =	vand.u32 $0x80, v21  }
0xd9: {  	v21 =	vand.u32 $0x7F, v21;
	v25 =	vld [tilespmem:s25+$0x22B0];
	v24 =	vadd.s32 s11, v24  }
0xda: {  	v26 =	vld [tilespmem:s25+$0x22F0];
	v21 =	vor.u32 v21, v24  }
0xdb: {  	v24 =	vld [tilespmem:s25+$0x22D0]  }
0xdc: {  	v27 =	vld [tilespmem:s25+$0x22C0]  }
0xdd: {  	v15 =	vadd.f32 v23, v15;
	v23 =	vld [tilespmem:s25+$0x22E0]  }
0xde: {  	v14 =	vadd.f32 v22, v14;
	v28 =	vld [tilespmem:s25+$0x2290];
	v16 =	vadd.f32 v25, v16;
	v22 =	vpop (erf)  }
0xdf: {  	[tilespmem:v21+s13+$0x0] =	vst.idx.add.f32.msk $0xff, v22;
	v21 =	vperm.xlane v22, v6;
	v25 =	vperm.xlane v22, v7  }
0xe0: {  	v30 =	vperm.xlane v22, v4;
	v29 =	vld [tilespmem:s4+$0x2C0];
	v18 =	vadd.f32 v24, v18;
	v24 =	vperm.xlane v22, v8  }
0xe1: {  	v32 =	vperm.xlane v22, v10;
	v31 =	vld [tilespmem:s4+$0x280];
	v20 =	vadd.f32 v27, v20;
	v27 =	vperm.xlane v22, v9  }
0xe2: {  	v16 =	vmul.f32 v30, v16;
	v33 =	vld [tilespmem:s4+$0x290];
	v19 =	vadd.f32 v23, v19;
	v23 =	vperm.xlane v22, v11  }
0xe3: {  	v18 =	vmul.f32 v32, v18;
	v30 =	vld [tilespmem:s4+$0x2A0];
	v13 =	vadd.f32 v28, v13;
	v20 =	vmul.f32 v27, v20  }
0xe4: {  	v17 =	vadd.f32 v26, v17;
	v27 =	vld [tilespmem:s4+$0x2D0];
	[tilespmem:s25+$0x82B0] =	vst v16;
	v16 =	vmul.f32 v23, v19;
	v19 =	vperm.xlane v22, v12  }
0xe5: {  	v15 =	vmul.f32 v21, v15;
	v22 =	vld [tilespmem:s4+$0x2B0];
	v13 =	vmul.f32 v25, v13;
	[tilespmem:s25+$0x82C0] =	vst v20  }
0xe6: {  	v14 =	vmul.f32 v24, v14;
	v20 =	vld [tilespmem:s4+$0x12B0];
	[tilespmem:s25+$0x82D0] =	vst v18;
	v17 =	vmul.f32 v19, v17  }
0xe7: {  	v23 =	vld [tilespmem:s4+$0x12C0];
	[tilespmem:s25+$0x82E0] =	vst v16  }
0xe8: {  	v24 =	vld [tilespmem:s4+$0x12E0];
	[tilespmem:s25+$0x82F0] =	vst v17  }
0xe9: {  	v16 =	vld [tilespmem:s4+$0x32B0];
	[tilespmem:s25+$0x8280] =	vst v15  }
0xea: {  	v15 =	vld [tilespmem:s4+$0x3280];
	[tilespmem:s25+$0x8290] =	vst v13  }
0xeb: {  	v17 =	vld [tilespmem:s4+$0x12A0];
	[tilespmem:s25+$0x82A0] =	vst v14;
	s25 =	smov.u32 s4  }
0xec: {  	v14 =	vld [tilespmem:s25+$0x32A0]  }
0xed: {  	v25 =	vld [tilespmem:s25+$0x12F0]  }
0xee: {  	s4 =	sand.u32 $0x40, s0;
	v19 =	vld [tilespmem:s25+$0x1290];
	v20 =	vadd.f32 v20, v16  }
0xef: {  	s4 =	sshrl.u32 s4, $0x2;
	v13 =	vld [tilespmem:s25+$0x3290]  }
0xf0: {  	v26 =	vld [tilespmem:s25+$0x12D0]  }
0xf1: {  	v28 =	vld [tilespmem:s25+$0x1280];
	v17 =	vadd.f32 v17, v14  }
0xf2: {  	v18 =	vld [tilespmem:s25+$0x32D0]  }
0xf3: {  	s11 =	sadd.s32 $0xFFFFFFE0, s10;
	v22 =	vmul.f32 v20, v22;
	v30 =	vmul.f32 v17, v30;
	v20 =	vld [tilespmem:s25+$0x32C0]  }
0xf4: {  	v21 =	vmov s11;
	v32 =	vadd.f32 v19, v13;
	v19 =	vld [tilespmem:s25+$0x32E0]  }
0xf5: {  	v34 =	vperm.xlane v22, v0;
	v17 =	vld [tilespmem:s25+$0x32F0]  }
0xf6: {  	v35 =	vperm.xlane v30, v0;
	v28 =	vadd.f32 v28, v15;
	v32 =	vmul.f32 v32, v33;
	v33 =	vld [tilespmem:s25+$0x2E0]  }
0xf7: {  	v22 =	vadd.f32 v34, v22;
	v26 =	vadd.f32 v26, v18;
	v36 =	vld [tilespmem:s25+$0x2F0]  }
0xf8: {  	v28 =	vmul.f32 v28, v31;
	v23 =	vadd.f32 v23, v20;
	v31 =	vperm.xlane v32, v0  }
0xf9: {  	v26 =	vmul.f32 v26, v27;
	v24 =	vadd.f32 v24, v19  }
0xfa: {  	v27 =	vadd.f32 v35, v30;
	v23 =	vmul.f32 v23, v29;
	v25 =	vadd.f32 v25, v17  }
0xfb: {  	v29 =	vadd.f32 v31, v32;
	v24 =	vmul.f32 v24, v33;
	v30 =	vperm.xlane v26, v0  }
0xfc: {  	v31 =	vperm.xlane v28, v0;
	v25 =	vmul.f32 v25, v36  }
0xfd: {  	v22 =	vsel vm0, v27, v22;
	v27 =	vperm.xlane v23, v0;
	v32 =	vperm.xlane v24, v0  }
0xfe: {  	v28 =	vadd.f32 v31, v28;
	v33 =	vperm.xlane v22, v1;
	v31 =	vperm.xlane v25, v0  }
.Ltmp5:
0xff: {  	v23 =	vadd.f32 v27, v23;
	v24 =	vadd.f32 v32, v24;
	(pc) =	sbr.rel @p2 .LBB2_5-.Ltmp5, $4  }
0x100: {  	v26 =	vadd.f32 v30, v26;
	v27 =	vsel vm0, v28, v29;
	v25 =	vadd.f32 v31, v25  }
0x101: {  	v22 =	vadd.f32 v33, v22;
	v28 =	vperm.xlane v27, v1  }
0x102: {  	v23 =	vsel vm0, v23, v26;
	v24 =	vsel vm0, v24, v25  }
0x103: {  	v26 =	vperm.xlane v23, v1;
	v25 =	vadd.f32 v28, v27;
	v27 =	vperm.xlane v24, v1  }
0x104: {  	_ = 	snop  }
0x105: {  	v23 =	vadd.f32 v26, v23;
	v24 =	vadd.f32 v27, v24;
	_ =	sdelay $0x1  }
0x106: {  	v22 =	vsel vm1, v25, v22;
	v23 =	vsel vm1, v23, v24  }
0x107: {  	v45 =	vperm.xlane v22, v2;
	v46 =	vperm.xlane v23, v2;
	_ =	sdelay $0x1  }
0x108: {  	v22 =	vadd.f32 v45, v22;
	v23 =	vadd.f32 v46, v23;
	_ =	sdelay $0x1  }
0x109: {  	v22 =	vsel vm2, v22, v23  }
0x10a: {  	v48 =	vperm.xlane v22, v3;
	_ =	sdelay $0x1  }
0x10b: {  	v47 =	vld [tilespmem:s4+$0x200];
	v22 =	vadd.f32 v22, v48;
	_ =	sdelay $0x1  }
0x10c: {  	v22 =	vmul.f32 $1.442695020e+00, v22;
	_ =	sdelay $0x1  }
0x10d: {  	(erf) = vpow2.f32 v22  }
0x10e: {  	v21 =	vperm.xlane v47, v21;
	_ =	sdelay $0x1  }
0x10f: {  	v21 =	vshll.u32 v21, $0x3  }
0x110: {  	v52 =	vld [tilespmem:s25+$0x22B0];
	v21 =	vand.u32 $0x78, v21  }
0x111: {  	v53 =	vld [tilespmem:s25+$0x22C0];
	v21 =	vadd.s32 v5, v21  }
0x112: {  	s0 =	sshll.u32 s26, $0x7;
	v54 =	vld [tilespmem:s25+$0x22D0];
	v51 =	vand.u32 $0x80, v21  }
0x113: {  	v55 =	vld [tilespmem:s25+$0x22E0];
	v21 =	vand.u32 $0x7F, v21;
	v24 =	vadd.s32 s0, v51  }
0x114: {  	v21 =	vor.u32 v21, v24  }
0x115: {  	v50 =	vld [tilespmem:s25+$0x2280];
	v29 =	vpop (erf)  }
0x116: {  	v30 =	vld [tilespmem:s25+$0x2290];
	v16 =	vadd.f32 v52, v16;
	v56 =	vperm.xlane v29, v4  }
0x117: {  	v49 =	vld [tilespmem:s25+$0x22A0];
	v20 =	vadd.f32 v53, v20;
	v18 =	vadd.f32 v54, v18;
	v57 =	vperm.xlane v29, v9  }
0x118: {  	v28 =	vld [tilespmem:s25+$0x22F0];
	v19 =	vadd.f32 v55, v19;
	v58 =	vperm.xlane v29, v10;
	v16 =	vmul.f32 v56, v16  }
0x119: {  	[tilespmem:v21+s13+$0x0] =	vst.idx.add.f32.msk $0xff, v29;
	v59 =	vperm.xlane v29, v11;
	v20 =	vmul.f32 v57, v20  }
0x11a: {  	v15 =	vadd.f32 v50, v15;
	v61 =	vperm.xlane v29, v6;
	v18 =	vmul.f32 v58, v18;
	[tilespmem:s25+$0x82B0] =	vst v16  }
0x11b: {  	v13 =	vadd.f32 v30, v13;
	v62 =	vperm.xlane v29, v7;
	v19 =	vmul.f32 v59, v19;
	[tilespmem:s25+$0x82C0] =	vst v20  }
0x11c: {  	v14 =	vadd.f32 v49, v14;
	v63 =	vperm.xlane v29, v8;
	v15 =	vmul.f32 v61, v15;
	[tilespmem:s25+$0x82D0] =	vst v18  }
0x11d: {  	v17 =	vadd.f32 v28, v17;
	v60 =	vperm.xlane v29, v12;
	v13 =	vmul.f32 v62, v13;
	[tilespmem:s25+$0x82E0] =	vst v19  }
0x11e: {  	v14 =	vmul.f32 v63, v14;
	[tilespmem:s25+$0x8280] =	vst v15  }
0x11f: {  	v16 =	vmul.f32 v60, v17;
	[tilespmem:s25+$0x8290] =	vst v13  }
0x120: {  	[tilespmem:s25+$0x82A0] =	vst v14  }
0x121: {  	[tilespmem:s25+$0x82F0] =	vst v16  }
0x122: {  	[spmem:s2] =	stream.indirect.scatter.add.f32 [tilespmem:s13], [sflag:$0x6], $0x80, s15, s14, $0xb8;
	[tilespmem:$0x1F780] =	vst v63  }
0x123: {  	_ =	swait.ge [sflag:s16], $0x2000  }
0x124: {  	[sflag:s16] =	ssyncset.done $0x0  }
.Ltmp6:
0x125: {  	[sflag:s16] =	ssyncadd.s32 $0xFFFFE000;
	(pc) =	sbr.rel .LBB2_7-.Ltmp6, $4  }
0x126: {  	[tilespmem:s29], [sflag:$0x6] =	stream.linear.gather [spmem:s3], $0x1000, $0x38;
	[tilespmem:$0x1F780] =	vst v63  }
0x127: {  	_ =	swait.ge [sflag:s16], $0x1000  }
0x128: {  	[sflag:s16] =	ssyncset.done $0x0  }
0x129: {  	[sflag:s16] =	ssyncadd.s32 $0xFFFFF000  }
.LBB2_3:
0x12a: {  	s24 =	sadd.s32 s19, s30  }
.LBB2_7:
0x12b: {  	p2 =	sgt.u32 s24, $0x270F  }
0x12c: {  	s0 =	simm.s32 @!p2 $0x3  }
0x12d: {  	_ =	swait.ge @!p2 [sflag:s0], $0x20  }
0x12e: {  	[sflag:s0] =	ssyncset.done @!p2 $0x0  }
0x12f: {  	[sflag:s0] =	ssyncadd.s32 @!p2 $0xFFFFFFE0  }
0x130: {  	_ =	swait.ge @!p2 [sflag:s0], $0x20  }
0x131: {  	s4 =	simm.s32 @!p2 $0x80;
	[sflag:s0] =	ssyncset.done @!p2 $0x0  }
0x132: {  	s10 =	simm.s32 @!p2 $0x280;
	[sflag:s0] =	ssyncadd.s32 @!p2 $0xFFFFFFE0;
	s0 =	simm.s32 @!p2 $0x20  }
0x133: {  	[tilespmem:s10], [sflag:$0x1] =	stream.indirect.gather @!p2 [hbm4b:s1+s0], $0x80, s4, s0, $0xb8;
	[tilespmem:$0x1F780] =	vst v63  }
0x134: {  	s4 =	simm.s32 @!p2 $0x0;
	s10 =	simm.s32 @!p2 $0x1280  }
0x135: {  	[tilespmem:s10], [sflag:$0x1] =	stream.indirect.gather @!p2 [hbm4b:s5+s0], $0x80, s4, s0, $0xb8;
	[tilespmem:$0x1F780] =	vst v63  }
.Ltmp7:
0x136: {  	s10 =	simm.s32 @!p2 $0x2280;
	(pc) =	sbr.rel @p1 .LBB2_11-.Ltmp7, $4  }
0x137: {  	[tilespmem:s10], [sflag:$0x1] =	stream.indirect.gather @!p2 [hbm4b:s9+s0], $0x80, s4, s0, $0xb8;
	[tilespmem:$0x1F780] =	vst v63  }
0x138: {  	s0 =	sshll.u32 @!p2 s24, $0x9  }
0x139: {  	s10 =	simm.s32 @!p2 $0x3280;
	s0 =	sadd.s32 @!p2 s6, s0  }
0x13a: {  	[tilespmem:s10], [sflag:$0x1] =	stream.linear.gather @!p2 [hbm4b:s0+s4], $0x1000, $0x38;
	[tilespmem:$0x1F780] =	vst v63  }
0x13b: {  	_ =	swait.ge [sflag:s17], $0x1000  }
0x13c: {  	[sflag:s17] =	ssyncset.done $0x0  }
0x13d: {  	[sflag:s17] =	ssyncadd.s32 $0xFFFFF000  }
0x13e: {  	_ =	swait.ge [sflag:s17], $0x1000  }
0x13f: {  	[sflag:s17] =	ssyncset.done $0x0  }
0x140: {  	[sflag:s17] =	ssyncadd.s32 $0xFFFFF000  }
0x141: {  	_ =	swait.ge [sflag:s17], $0x1000  }
0x142: {  	[sflag:s17] =	ssyncset.done $0x0  }
0x143: {  	[sflag:s17] =	ssyncadd.s32 $0xFFFFF000  }
0x144: {  	_ =	swait.ge [sflag:s17], $0x1000  }
0x145: {  	[sflag:s17] =	ssyncset.done $0x0  }
0x146: {  	[sflag:s17] =	ssyncadd.s32 $0xFFFFF000  }
0x147: {  	v13 =	vld [tilespmem:$0x180];
	_ =	sdelay $0x1  }
0x148: {  	v14 =	vld [tilespmem:$0x190];
	_ =	sdelay $0x2  }
0x149: {  	v15 =	vshrl.u32 v13, $0x4  }
0x14a: {  	s0 =	sadd.s32 s22, s30;
	[tilespmem:$0x200] =	vst v13;
	v13 =	vadd.s32 $0x2800, v15  }
0x14b: {  	p1 =	sgt.u32 s0, $0x270F;
	[tilespmem:$0x220] =	vst v13;
	v13 =	vshrl.u32 v14, $0x4  }
0x14c: {  	s0 =	sshll.u32 @!p1 s0, $0x2;
	[tilespmem:$0x210] =	vst v14;
	v13 =	vadd.s32 $0x2800, v13  }
0x14d: {  	s10 =	simm.s32 @!p1 $0x0;
	s11 =	simm.s32 @!p1 $0x100;
	s4 =	sadd.s32 @!p1 s7, s0;
	[tilespmem:$0x230] =	vst v13  }
0x14e: {  	[tilespmem:s11], [sflag:$0x4] =	stream.linear.gather @!p1 [hbm4b:s4+s10], $0x20, $0x38;
	[tilespmem:$0x1F780] =	vst v63  }
0x14f: {  	s24 =	simm.s32 $0x0;
	s0 =	sadd.s32 @!p1 s8, s0;
	s4 =	simm.s32 @!p1 $0x180  }
0x150: {  	[tilespmem:s4], [sflag:$0x4] =	stream.linear.gather @!p1 [hbm4b:s0+s10], $0x20, $0x38;
	[tilespmem:$0x1F780] =	vst v63  }
0x151: {  	v21 =	vld [tilespmem:s24+$0x42C0]  }
0x152: {  	v22 =	vld [tilespmem:s24+$0x4280]  }
0x153: {  	v23 =	vld [tilespmem:s24+$0x4290]  }
0x154: {  	v24 =	vld [tilespmem:s24+$0x42A0]  }
0x155: {  	v25 =	vld [tilespmem:s24+$0x42D0]  }
0x156: {  	v17 =	vld [tilespmem:s24+$0x42B0]  }
0x157: {  	v19 =	vld [tilespmem:s24+$0x52B0]  }
0x158: {  	v26 =	vld [tilespmem:s24+$0x52C0]  }
0x159: {  	v27 =	vld [tilespmem:s24+$0x52E0]  }
0x15a: {  	v16 =	vld [tilespmem:s24+$0x72B0]  }
0x15b: {  	v15 =	vld [tilespmem:s24+$0x7280]  }
0x15c: {  	v28 =	vld [tilespmem:s24+$0x52A0]  }
0x15d: {  	v14 =	vld [tilespmem:s24+$0x72A0]  }
0x15e: {  	v30 =	vld [tilespmem:s24+$0x5290]  }
0x15f: {  	v31 =	vld [tilespmem:s24+$0x52D0]  }
0x160: {  	v32 =	vld [tilespmem:s24+$0x5280]  }
0x161: {  	v18 =	vld [tilespmem:s24+$0x72D0]  }
0x162: {  	v20 =	vld [tilespmem:s24+$0x72C0]  }
0x163: {  	v13 =	vld [tilespmem:s24+$0x7290]  }
0x164: {  	v29 =	vld [tilespmem:s24+$0x52F0];
	v33 =	vadd.f32 v19, v16  }
0x165: {  	v28 =	vadd.f32 v28, v14;
	v19 =	vld [tilespmem:s24+$0x72E0]  }
0x166: {  	v32 =	vadd.f32 v32, v15;
	v31 =	vadd.f32 v31, v18;
	v33 =	vmul.f32 v33, v17;
	v17 =	vld [tilespmem:s24+$0x72F0]  }
0x167: {  	v58 =	vld [tilespmem:s24+$0x42E0];
	v26 =	vadd.f32 v26, v20;
	v24 =	vmul.f32 v28, v24  }
0x168: {  	v35 =	vld [tilespmem:s24+$0x42F0];
	v28 =	vadd.f32 v30, v13;
	v22 =	vmul.f32 v32, v22;
	v25 =	vmul.f32 v31, v25  }
0x169: {  	v21 =	vmul.f32 v26, v21;
	v34 =	vperm.xlane v33, v0  }
0x16a: {  	v23 =	vmul.f32 v28, v23;
	v28 =	vperm.xlane v24, v0  }
0x16b: {  	v61 =	vperm.xlane v21, v0;
	v27 =	vadd.f32 v27, v19;
	v26 =	vadd.f32 v29, v17  }
0x16c: {  	v59 =	vperm.xlane v23, v0;
	v24 =	vadd.f32 v28, v24;
	v28 =	vperm.xlane v22, v0  }
0x16d: {  	v29 =	vadd.f32 v34, v33;
	v27 =	vmul.f32 v27, v58;
	v26 =	vmul.f32 v26, v35  }
0x16e: {  	v60 =	vperm.xlane v25, v0;
	v23 =	vadd.f32 v59, v23;
	v22 =	vadd.f32 v28, v22  }
0x16f: {  	v31 =	vadd.f32 v61, v21;
	v62 =	vperm.xlane v27, v0;
	v28 =	vperm.xlane v26, v0  }
0x170: {  	v24 =	vsel vm0, v24, v29;
	v63 =	vsel vm0, v22, v23;
	v23 =	vadd.f32 v60, v25  }
0x171: {  	s30 =	simm.s32 $0x0;
	v29 =	vperm.xlane v24, v1;
	v27 =	vadd.f32 v62, v27;
	v25 =	vadd.f32 v28, v26  }
0x172: {  	s0 =	simm.s32 $0x0;
	v21 =	vmov s30;
	v26 =	vperm.xlane v63, v1  }
0x173: {  	s26 =	simm.s32 $0x200;
	s31 =	sand.u32 $0x40, s0;
	v22 =	vadd.f32 v29, v24;
	v23 =	vsel vm0, v31, v23;
	v24 =	vsel vm0, v27, v25  }
0x174: {  	s25 =	simm.s32 $0x20;
	s10 =	simm.s32 $0x20;
	s4 =	sshrl.u32 s31, $0x2;
	v25 =	vadd.f32 v26, v63;
	v26 =	vperm.xlane v23, v1;
	v27 =	vperm.xlane v24, v1  }
.LBB2_9:
0x175: {  	p1 =	sne.s32 s26, $0x3E00;
	s10 =	sadd.s32 $0x1, s10;
	s0 =	sadd.s32 $0x4, s0  }
0x176: {  	v22 =	vsel vm1, v25, v22;
	v23 =	vadd.f32 v26, v23;
	v24 =	vadd.f32 v27, v24;
	s11 =	smov.u32 s26;
	s26 =	sadd.s32 $0x200, s26  }
0x177: {  	v25 =	vperm.xlane v22, v2  }
0x178: {  	v23 =	vsel vm1, v23, v24  }
0x179: {  	v22 =	vadd.f32 v25, v22;
	v24 =	vperm.xlane v23, v2;
	_ =	sdelay $0x1  }
0x17a: {  	v23 =	vadd.f32 v24, v23;
	_ =	sdelay $0x1  }
0x17b: {  	v22 =	vsel vm2, v22, v23;
	v24 =	vld [tilespmem:s4+$0x200]  }
0x17c: {  	v23 =	vperm.xlane v22, v3;
	_ =	sdelay $0x1  }
0x17d: {  	v22 =	vadd.f32 v22, v23;
	_ =	sdelay $0x1  }
0x17e: {  	v22 =	vmul.f32 $1.442695020e+00, v22;
	v21 =	vperm.xlane v24, v21;
	_ =	sdelay $0x1  }
0x17f: {  	v21 =	vshll.u32 v21, $0x3;
	(erf) = vpow2.f32 v22  }
0x180: {  	v21 =	vand.u32 $0x78, v21  }
0x181: {  	s4 =	sshra.s32 s11, $0x2;
	v22 =	vld [tilespmem:s24+$0x62A0];
	v21 =	vadd.s32 v5, v21  }
0x182: {  	s11 =	sshll.u32 s25, $0x7;
	s25 =	smov.u32 s10;
	v23 =	vld [tilespmem:s24+$0x6280];
	v24 =	vand.u32 $0x80, v21  }
0x183: {  	v21 =	vand.u32 $0x7F, v21;
	v25 =	vld [tilespmem:s24+$0x62B0];
	v24 =	vadd.s32 s11, v24  }
0x184: {  	v26 =	vld [tilespmem:s24+$0x62F0];
	v21 =	vor.u32 v21, v24  }
0x185: {  	v24 =	vld [tilespmem:s24+$0x62D0]  }
0x186: {  	v27 =	vld [tilespmem:s24+$0x62C0]  }
0x187: {  	v15 =	vadd.f32 v23, v15;
	v23 =	vld [tilespmem:s24+$0x62E0]  }
0x188: {  	v14 =	vadd.f32 v22, v14;
	v28 =	vld [tilespmem:s24+$0x6290];
	v16 =	vadd.f32 v25, v16;
	v22 =	vpop (erf)  }
0x189: {  	[tilespmem:v21+s13+$0x0] =	vst.idx.add.f32.msk $0xff, v22;
	v21 =	vperm.xlane v22, v6;
	v25 =	vperm.xlane v22, v7  }
0x18a: {  	v30 =	vperm.xlane v22, v4;
	v29 =	vld [tilespmem:s4+$0x42C0];
	v18 =	vadd.f32 v24, v18;
	v24 =	vperm.xlane v22, v8  }
0x18b: {  	v32 =	vperm.xlane v22, v10;
	v31 =	vld [tilespmem:s4+$0x4280];
	v20 =	vadd.f32 v27, v20;
	v27 =	vperm.xlane v22, v9  }
0x18c: {  	v16 =	vmul.f32 v30, v16;
	v33 =	vld [tilespmem:s4+$0x4290];
	v19 =	vadd.f32 v23, v19;
	v23 =	vperm.xlane v22, v11  }
0x18d: {  	v18 =	vmul.f32 v32, v18;
	v30 =	vld [tilespmem:s4+$0x42A0];
	v13 =	vadd.f32 v28, v13;
	v20 =	vmul.f32 v27, v20  }
0x18e: {  	v17 =	vadd.f32 v26, v17;
	v27 =	vld [tilespmem:s4+$0x42D0];
	[tilespmem:s24+$0x82B0] =	vst v16;
	v16 =	vmul.f32 v23, v19;
	v19 =	vperm.xlane v22, v12  }
0x18f: {  	v15 =	vmul.f32 v21, v15;
	v22 =	vld [tilespmem:s4+$0x42B0];
	v13 =	vmul.f32 v25, v13;
	[tilespmem:s24+$0x82C0] =	vst v20  }
0x190: {  	v14 =	vmul.f32 v24, v14;
	v20 =	vld [tilespmem:s4+$0x52B0];
	[tilespmem:s24+$0x82D0] =	vst v18;
	v17 =	vmul.f32 v19, v17  }
0x191: {  	v23 =	vld [tilespmem:s4+$0x52C0];
	[tilespmem:s24+$0x82E0] =	vst v16  }
0x192: {  	v24 =	vld [tilespmem:s4+$0x52E0];
	[tilespmem:s24+$0x82F0] =	vst v17  }
0x193: {  	v16 =	vld [tilespmem:s4+$0x72B0];
	[tilespmem:s24+$0x8280] =	vst v15  }
0x194: {  	v15 =	vld [tilespmem:s4+$0x7280];
	[tilespmem:s24+$0x8290] =	vst v13  }
0x195: {  	v17 =	vld [tilespmem:s4+$0x52A0];
	[tilespmem:s24+$0x82A0] =	vst v14;
	s24 =	smov.u32 s4  }
0x196: {  	v14 =	vld [tilespmem:s24+$0x72A0]  }
0x197: {  	v25 =	vld [tilespmem:s24+$0x52F0]  }
0x198: {  	s4 =	sand.u32 $0x40, s0;
	v19 =	vld [tilespmem:s24+$0x5290];
	v20 =	vadd.f32 v20, v16  }
0x199: {  	s4 =	sshrl.u32 s4, $0x2;
	v13 =	vld [tilespmem:s24+$0x7290]  }
0x19a: {  	v26 =	vld [tilespmem:s24+$0x52D0]  }
0x19b: {  	v28 =	vld [tilespmem:s24+$0x5280];
	v17 =	vadd.f32 v17, v14  }
0x19c: {  	v18 =	vld [tilespmem:s24+$0x72D0]  }
0x19d: {  	s11 =	sadd.s32 $0xFFFFFFE0, s10;
	v22 =	vmul.f32 v20, v22;
	v30 =	vmul.f32 v17, v30;
	v20 =	vld [tilespmem:s24+$0x72C0]  }
0x19e: {  	v21 =	vmov s11;
	v32 =	vadd.f32 v19, v13;
	v19 =	vld [tilespmem:s24+$0x72E0]  }
0x19f: {  	v34 =	vperm.xlane v22, v0;
	v17 =	vld [tilespmem:s24+$0x72F0]  }
0x1a0: {  	v35 =	vperm.xlane v30, v0;
	v28 =	vadd.f32 v28, v15;
	v32 =	vmul.f32 v32, v33;
	v33 =	vld [tilespmem:s24+$0x42E0]  }
0x1a1: {  	v22 =	vadd.f32 v34, v22;
	v26 =	vadd.f32 v26, v18;
	v36 =	vld [tilespmem:s24+$0x42F0]  }
0x1a2: {  	v28 =	vmul.f32 v28, v31;
	v23 =	vadd.f32 v23, v20;
	v31 =	vperm.xlane v32, v0  }
0x1a3: {  	v26 =	vmul.f32 v26, v27;
	v24 =	vadd.f32 v24, v19  }
0x1a4: {  	v27 =	vadd.f32 v35, v30;
	v23 =	vmul.f32 v23, v29;
	v25 =	vadd.f32 v25, v17  }
0x1a5: {  	v29 =	vadd.f32 v31, v32;
	v24 =	vmul.f32 v24, v33;
	v30 =	vperm.xlane v26, v0  }
0x1a6: {  	v31 =	vperm.xlane v28, v0;
	v25 =	vmul.f32 v25, v36  }
0x1a7: {  	v22 =	vsel vm0, v27, v22;
	v27 =	vperm.xlane v23, v0;
	v32 =	vperm.xlane v24, v0  }
0x1a8: {  	v28 =	vadd.f32 v31, v28;
	v33 =	vperm.xlane v22, v1;
	v31 =	vperm.xlane v25, v0  }
.Ltmp8:
0x1a9: {  	v23 =	vadd.f32 v27, v23;
	v24 =	vadd.f32 v32, v24;
	(pc) =	sbr.rel @p1 .LBB2_9-.Ltmp8, $4  }
0x1aa: {  	v26 =	vadd.f32 v30, v26;
	v27 =	vsel vm0, v28, v29;
	v25 =	vadd.f32 v31, v25  }
0x1ab: {  	v22 =	vadd.f32 v33, v22;
	v28 =	vperm.xlane v27, v1  }
0x1ac: {  	v23 =	vsel vm0, v23, v26;
	v24 =	vsel vm0, v24, v25  }
0x1ad: {  	v26 =	vperm.xlane v23, v1;
	v25 =	vadd.f32 v28, v27;
	v27 =	vperm.xlane v24, v1  }
.Ltmp9:
0x1ae: {  	_ = 	snop;
	(pc) =	sbr.rel .LBB2_10-.Ltmp9, $1  }
0x1af: {  	_ =	sdelay $0x3  }
.LBB2_13:
0x1b0: {  	_ =	sfence.sel $0x180000  }
0x1b1: {  	[bflag:$0x0] =	sbarrier.arrive $0xFFFF  }
0x1b2: {  	_ =	strace $0x90000047  }
0x1b3: {  	[bflag:$0x2] =	sbarrier.arrive $0xFFFF  }
0x1b4: {  	s0 =	rddreg [dreg:$0x5]  }
0x1b5: {  	s0 =	sadd.s32 @!p0 $0x100000, s0  }
0x1b6: {  	[sflag:s0] =	ssyncadd.tile.s32 @!p0 $0x1;
	_ =	shalt  }
.Lfunc_end2:
_tile_overlayer_lowered:
.L_overlay_start_2:
0x1b7: {  	(tag) =	ssettag $0x2  }
0x1b8: {  	s0 =	rddreg [dreg:$0x0];
	s2 =	stileid.u32  }
0x1b9: {  	s1 =	rddreg [dreg:$0x1];
	p0 =	sne.s32 s2, $0x0  }
0x1ba: {  	s3 =	rddreg [dreg:$0x2];
	[bflag:$0x3] =	sbarrier.arrive $0xFFFF;
	s2 =	simm.s32 @!p0 $0x1C05  }
0x1bb: {  	[timem:s3], [sflag:s2] =	dma.local @!p0 [hbm:s0], s1  }
0x1bc: {  	s0 =	simm.s32 @!p0 $0x5  }
0x1bd: {  	_ =	swait.ge @!p0 [sflag:s0], s1  }
0x1be: {  	s1 =	ssub.s32 @!p0 $0x0, s1;
	[sflag:s0] =	ssyncset.done @!p0 $0x0  }
0x1bf: {  	[sflag:s0] =	ssyncadd.s32 @!p0 s1  }
0x1c0: {  	[bflag:$0x3] =	sbarrier.arrive $0xFFFF  }
0x1c1: {  	_ =	shalt  }

</sc_bundles>
